<compile_context>
chip_gen: v7x
topology: tpu7x:2x2x1
jax: 0.10.2.dev20260603
libtpu: 0.0.44.dev20260713+nightly
codegen_flags: <defaults>
</compile_context>

<pallas_src>
import functools

import jax
import jax.numpy as jnp
from jax import lax
from jax.experimental import pallas as pl
from jax.experimental.pallas import tpu as pltpu
from jax.experimental.pallas import tpu_sc as plsc

SEQ = 200
BATCH = 1024
EMB = 64
C = 128
NLANES = 16
NW = 32
TILES_PER_POS = BATCH // C
TOTAL_TILES = SEQ * TILES_PER_POS
PER_W = TOTAL_TILES // NW
NJ = EMB // NLANES
ROW_UNROLL = 4


def _emb_kernel(x_hbm, enc_hbm, post_hbm, out_hbm,
                idx, rows, posbuf, outbuf,
                gsem0, gsem1, osem0, osem1, isem0, isem1):
    cid = lax.axis_index("c")
    sid = lax.axis_index("s")
    wid = sid * 2 + cid
    tau0 = wid * PER_W

    pltpu.sync_copy(post_hbm.at[:, pl.ds(0, 128)], posbuf.at[0])
    pltpu.sync_copy(post_hbm.at[:, pl.ds(128, 128)], posbuf.at[1])

    gsems = (gsem0, gsem1)
    osems = (osem0, osem1)
    isems = (isem0, isem1)
    iota = lax.iota(jnp.int32, NLANES)
    erow = [iota + (j * NLANES) for j in range(NJ)]

    def tile_coords(t):
        tau = tau0 + t
        s = tau // TILES_PER_POS
        b0 = (tau % TILES_PER_POS) * C
        return s, b0

    def fetch_idx(t, b):
        s, b0 = tile_coords(t)
        pltpu.async_copy(x_hbm.at[s, pl.ds(b0, C)], idx.at[b], isems[b])

    def wait_idx(t, b):
        s, b0 = tile_coords(t)
        pltpu.make_async_copy(x_hbm.at[s, pl.ds(b0, C)], idx.at[b],
                              isems[b]).wait()

    def gather(t, b):
        pltpu.async_copy(enc_hbm.at[idx.at[b]], rows.at[b], gsems[b])

    def wait_gather(t, b):
        pltpu.make_async_copy(
            enc_hbm.at[idx.at[b]], rows.at[b], gsems[b]).wait()

    def store_out(t, b):
        s, b0 = tile_coords(t)
        pltpu.async_copy(outbuf.at[b], out_hbm.at[s, pl.ds(b0, C)], osems[b])

    def wait_store(t, b):
        s, b0 = tile_coords(t)
        pltpu.make_async_copy(outbuf.at[b], out_hbm.at[s, pl.ds(b0, C)],
                              osems[b]).wait()

    fetch_idx(0, 0)
    wait_idx(0, 0)
    gather(0, 0)
    fetch_idx(1, 1)
    wait_idx(1, 1)
    gather(1, 1)

    def pair(i, carry):
        for b in range(2):
            t = 2 * i + b
            s, b0 = tile_coords(t)

            wait_gather(t, b)

            @pl.when(t + 2 < PER_W)
            def _():
                fetch_idx(t + 2, b)

            @pl.when(t >= 2)
            def _():
                wait_store(t - 2, b)

            blk = s >> 7
            slocv = jnp.broadcast_to(s & 127, (NLANES,))
            p = [plsc.load_gather(posbuf.at[blk], [erow[j], slocv])
                 for j in range(NJ)]

            def addrows(k, c2):
                for u in range(ROW_UNROLL):
                    r = k * ROW_UNROLL + u
                    for j in range(NJ):
                        sl = pl.ds(j * NLANES, NLANES)
                        outbuf[b, r, sl] = rows[b, r, sl] + p[j]
                return c2

            lax.fori_loop(0, C // ROW_UNROLL, addrows, 0)

            store_out(t, b)

            @pl.when(t + 2 < PER_W)
            def _():
                wait_idx(t + 2, b)
                gather(t + 2, b)
        return carry

    lax.fori_loop(0, PER_W // 2, pair, 0)

    wait_store(PER_W - 2, 0)
    wait_store(PER_W - 1, 1)


def kernel(x, encoder, pos_emb):
    mesh = plsc.VectorSubcoreMesh(core_axis_name="c", subcore_axis_name="s")
    run = functools.partial(
        pl.kernel,
        mesh=mesh,
        out_type=jax.ShapeDtypeStruct((SEQ, BATCH, EMB), jnp.float32),
        scratch_types=[
            pltpu.VMEM((2, C), jnp.int32),
            pltpu.VMEM((2, C, 2 * EMB), jnp.float32),
            pltpu.VMEM((2, EMB, 128), jnp.float32),
            pltpu.VMEM((2, C, EMB), jnp.float32),
            pltpu.SemaphoreType.DMA,
            pltpu.SemaphoreType.DMA,
            pltpu.SemaphoreType.DMA,
            pltpu.SemaphoreType.DMA,
            pltpu.SemaphoreType.DMA,
            pltpu.SemaphoreType.DMA,
        ],
        compiler_params=pltpu.CompilerParams(
            use_tc_tiling_on_sc=True, needs_layout_passes=False),
    )(_emb_kernel)
    enc_padded = jnp.pad(encoder, ((0, 0), (0, 2 * EMB - EMB)))
    return run(x, enc_padded, pos_emb.T)

# --- scband reference (transcript-rebuilt; emitter-appended) ---
"""Pipeline reference for scband-transformer-embeddings-52536039965398 (READ-ONLY COPY).

The authoritative reference and input builder live on the scoring server;
editing this copy changes nothing except your own understanding.
"""

import jax, jax.numpy as jnp
import numpy as np

NTOKEN = 1000000
EMB_SIZE = 64
MAX_LEN = 5000
SEQ_LEN = 200
BATCH = 1024


def setup_inputs(seed: int = 0) -> dict:
    key = jax.random.key(seed)
    k1, k2, k3 = jax.random.split(key, 3)
    x = jax.random.randint(k1, (SEQ_LEN, BATCH), 0, NTOKEN, dtype=jnp.int64 if jax.config.read('jax_enable_x64') else jnp.int32)
    encoder = jax.random.normal(k2, (NTOKEN, EMB_SIZE), dtype=jnp.float32) * 0.02
    pos_emb = jax.random.normal(k3, (MAX_LEN, EMB_SIZE), dtype=jnp.float32) * 0.02
    return {"x": x, "encoder": encoder, "pos_emb": pos_emb}


def reference(x, encoder, pos_emb):
    # x: int[seq_len, batch]
    seq_length = x.shape[0]
    position_ids = jnp.broadcast_to(jnp.arange(seq_length)[:, None], x.shape)
    out = jnp.take(encoder, x, axis=0) + jnp.take(pos_emb, position_ids, axis=0)
    # emb_size == ninp, so emb_norm / emb_linear branch is inactive
    return out

if __name__ == "__main__":
    import jax
    _d = setup_inputs()
    print(jax.jit(kernel)(*tuple(_d.values())))

</pallas_src>

<mosaic_0001>
#map = affine_map<(d0, d1) -> (0, 0)>
#map1 = affine_map<(d0, d1) -> (0, 0, 0)>
module attributes {stable_mosaic.version = 14 : i64} {
  func.func @_emb_kernel(%arg0: i32, %arg1: i32, %arg2: memref<200x1024xi32, #tpu.memory_space<hbm>>, %arg3: memref<1000000x128xf32, #tpu.memory_space<hbm>>, %arg4: memref<64x5000xf32, #tpu.memory_space<hbm>>, %arg5: memref<200x1024x64xf32, #tpu.memory_space<hbm>>, %arg6: memref<2x128xi32, #tpu.memory_space<vmem>>, %arg7: memref<2x128x128xf32, #tpu.memory_space<vmem>>, %arg8: memref<2x64x128xf32, #tpu.memory_space<vmem>>, %arg9: memref<2x128x64xf32, #tpu.memory_space<vmem>>, %arg10: memref<!tpu.dma_semaphore, #tpu.memory_space<semaphore_mem>>, %arg11: memref<!tpu.dma_semaphore, #tpu.memory_space<semaphore_mem>>, %arg12: memref<!tpu.dma_semaphore, #tpu.memory_space<semaphore_mem>>, %arg13: memref<!tpu.dma_semaphore, #tpu.memory_space<semaphore_mem>>, %arg14: memref<!tpu.dma_semaphore, #tpu.memory_space<semaphore_mem>>, %arg15: memref<!tpu.dma_semaphore, #tpu.memory_space<semaphore_mem>>) attributes {dimension_semantics = [#tpu.dimension_semantics<core_parallel>, #tpu.dimension_semantics<subcore_parallel>], iteration_bounds = array<i64: 2, 16>, scalar_prefetch = 0 : i64, scratch_operands = 10 : i64, tpu.core_type = #tpu.core_type<sc_vector_subcore>, window_params = [{transform_indices = #map}, {transform_indices = #map}, {transform_indices = #map}, {transform_indices = #map1}]} {
    %mul3A = arith.constant 2 : i32
    %mul3A_0 = arith.muli %arg1, %mul3A : i32
    %add3A = arith.addi %mul3A_0, %arg0 : i32
    %mul3A_1 = arith.constant 50 : i32
    %mul3A_2 = arith.muli %add3A, %mul3A_1 : i32
    %run_scoped3A = arith.constant 0 : i32
    "tpu.region"() ({
      %run_scoped3A_371 = tpu.sem_alloc : memref<!tpu.dma_semaphore, #tpu.memory_space<semaphore_mem>>
      %dma_start3A_372 = arith.constant 0 : i32
      %dma_start3A_373 = arith.constant 0 : i32
      %dma_start3A_374 = tpu.memref_slice %arg8[%run_scoped3A, %dma_start3A_372, %dma_start3A_373] : memref<2x64x128xf32, #tpu.memory_space<vmem>> -> memref<1x64x128xf32, #tpu.memory_space<vmem>>
      %dma_start3A_375 = tpu.memref_squeeze %dma_start3A_374 : memref<1x64x128xf32, #tpu.memory_space<vmem>> -> memref<64x128xf32, #tpu.memory_space<vmem>>
      %dma_start3A_376 = arith.constant 0 : i32
      %dma_start3A_377 = arith.constant 0 : i32
      %dma_start3A_378 = tpu.memref_slice %arg4[%dma_start3A_376, %dma_start3A_377] : memref<64x5000xf32, #tpu.memory_space<hbm>> -> memref<64x128xf32, #tpu.memory_space<hbm>>
      %dma_start3A_379 = arith.constant 0 : i32
      %dma_start3A_380 = arith.constant 0 : i32
      %dma_start3A_381 = tpu.memref_slice %arg8[%run_scoped3A, %dma_start3A_379, %dma_start3A_380] : memref<2x64x128xf32, #tpu.memory_space<vmem>> -> memref<1x64x128xf32, #tpu.memory_space<vmem>>
      %dma_start3A_382 = tpu.memref_squeeze %dma_start3A_381 : memref<1x64x128xf32, #tpu.memory_space<vmem>> -> memref<64x128xf32, #tpu.memory_space<vmem>>
      %dma_start3A_383 = arith.constant 0 : i32
      %dma_start3A_384 = arith.constant 0 : i32
      %dma_start3A_385 = tpu.memref_slice %arg4[%dma_start3A_383, %dma_start3A_384] : memref<64x5000xf32, #tpu.memory_space<hbm>> -> memref<64x128xf32, #tpu.memory_space<hbm>>
      tpu.enqueue_dma source(%dma_start3A_385 : memref<64x128xf32, #tpu.memory_space<hbm>>) target(%dma_start3A_382 : memref<64x128xf32, #tpu.memory_space<vmem>>) target_semaphore(%run_scoped3A_371 : memref<!tpu.dma_semaphore, #tpu.memory_space<semaphore_mem>>)
      %dma_wait3A_386 = arith.constant 0 : i32
      %dma_wait3A_387 = arith.constant 0 : i32
      %dma_wait3A_388 = tpu.memref_slice %arg8[%run_scoped3A, %dma_wait3A_386, %dma_wait3A_387] : memref<2x64x128xf32, #tpu.memory_space<vmem>> -> memref<1x64x128xf32, #tpu.memory_space<vmem>>
      %dma_wait3A_389 = tpu.memref_squeeze %dma_wait3A_388 : memref<1x64x128xf32, #tpu.memory_space<vmem>> -> memref<64x128xf32, #tpu.memory_space<vmem>>
      %dma_wait3A_390 = arith.constant 0 : i32
      %dma_wait3A_391 = arith.constant 0 : i32
      %dma_wait3A_392 = tpu.memref_slice %arg4[%dma_wait3A_390, %dma_wait3A_391] : memref<64x5000xf32, #tpu.memory_space<hbm>> -> memref<64x128xf32, #tpu.memory_space<hbm>>
      %dma_wait3A_393 = arith.constant 0 : i32
      %dma_wait3A_394 = arith.constant 0 : i32
      %dma_wait3A_395 = tpu.memref_slice %arg8[%run_scoped3A, %dma_wait3A_393, %dma_wait3A_394] : memref<2x64x128xf32, #tpu.memory_space<vmem>> -> memref<1x64x128xf32, #tpu.memory_space<vmem>>
      %dma_wait3A_396 = tpu.memref_squeeze %dma_wait3A_395 : memref<1x64x128xf32, #tpu.memory_space<vmem>> -> memref<64x128xf32, #tpu.memory_space<vmem>>
      %dma_wait3A_397 = arith.constant 0 : i32
      %dma_wait3A_398 = arith.constant 0 : i32
      %dma_wait3A_399 = tpu.memref_slice %arg4[%dma_wait3A_397, %dma_wait3A_398] : memref<64x5000xf32, #tpu.memory_space<hbm>> -> memref<64x128xf32, #tpu.memory_space<hbm>>
      tpu.wait_dma2 semaphore(%run_scoped3A_371 : memref<!tpu.dma_semaphore, #tpu.memory_space<semaphore_mem>>) src(%dma_wait3A_399 : memref<64x128xf32, #tpu.memory_space<hbm>>) dst(%dma_wait3A_396 : memref<64x128xf32, #tpu.memory_space<vmem>>)
      tpu.yield
    }) : () -> ()
    %run_scoped3A_3 = arith.constant 1 : i32
    "tpu.region"() ({
      %run_scoped3A_371 = tpu.sem_alloc : memref<!tpu.dma_semaphore, #tpu.memory_space<semaphore_mem>>
      %dma_start3A_372 = arith.constant 0 : i32
      %dma_start3A_373 = arith.constant 0 : i32
      %dma_start3A_374 = tpu.memref_slice %arg8[%run_scoped3A_3, %dma_start3A_372, %dma_start3A_373] : memref<2x64x128xf32, #tpu.memory_space<vmem>> -> memref<1x64x128xf32, #tpu.memory_space<vmem>>
      %dma_start3A_375 = tpu.memref_squeeze %dma_start3A_374 : memref<1x64x128xf32, #tpu.memory_space<vmem>> -> memref<64x128xf32, #tpu.memory_space<vmem>>
      %dma_start3A_376 = arith.constant 0 : i32
      %dma_start3A_377 = arith.constant 128 : i32
      %dma_start3A_378 = tpu.memref_slice %arg4[%dma_start3A_376, %dma_start3A_377] : memref<64x5000xf32, #tpu.memory_space<hbm>> -> memref<64x128xf32, #tpu.memory_space<hbm>>
      %dma_start3A_379 = arith.constant 0 : i32
      %dma_start3A_380 = arith.constant 0 : i32
      %dma_start3A_381 = tpu.memref_slice %arg8[%run_scoped3A_3, %dma_start3A_379, %dma_start3A_380] : memref<2x64x128xf32, #tpu.memory_space<vmem>> -> memref<1x64x128xf32, #tpu.memory_space<vmem>>
      %dma_start3A_382 = tpu.memref_squeeze %dma_start3A_381 : memref<1x64x128xf32, #tpu.memory_space<vmem>> -> memref<64x128xf32, #tpu.memory_space<vmem>>
      %dma_start3A_383 = arith.constant 0 : i32
      %dma_start3A_384 = arith.constant 128 : i32
      %dma_start3A_385 = tpu.memref_slice %arg4[%dma_start3A_383, %dma_start3A_384] : memref<64x5000xf32, #tpu.memory_space<hbm>> -> memref<64x128xf32, #tpu.memory_space<hbm>>
      tpu.enqueue_dma source(%dma_start3A_385 : memref<64x128xf32, #tpu.memory_space<hbm>>) target(%dma_start3A_382 : memref<64x128xf32, #tpu.memory_space<vmem>>) target_semaphore(%run_scoped3A_371 : memref<!tpu.dma_semaphore, #tpu.memory_space<semaphore_mem>>)
      %dma_wait3A_386 = arith.constant 0 : i32
      %dma_wait3A_387 = arith.constant 0 : i32
      %dma_wait3A_388 = tpu.memref_slice %arg8[%run_scoped3A_3, %dma_wait3A_386, %dma_wait3A_387] : memref<2x64x128xf32, #tpu.memory_space<vmem>> -> memref<1x64x128xf32, #tpu.memory_space<vmem>>
      %dma_wait3A_389 = tpu.memref_squeeze %dma_wait3A_388 : memref<1x64x128xf32, #tpu.memory_space<vmem>> -> memref<64x128xf32, #tpu.memory_space<vmem>>
      %dma_wait3A_390 = arith.constant 0 : i32
      %dma_wait3A_391 = arith.constant 128 : i32
      %dma_wait3A_392 = tpu.memref_slice %arg4[%dma_wait3A_390, %dma_wait3A_391] : memref<64x5000xf32, #tpu.memory_space<hbm>> -> memref<64x128xf32, #tpu.memory_space<hbm>>
      %dma_wait3A_393 = arith.constant 0 : i32
      %dma_wait3A_394 = arith.constant 0 : i32
      %dma_wait3A_395 = tpu.memref_slice %arg8[%run_scoped3A_3, %dma_wait3A_393, %dma_wait3A_394] : memref<2x64x128xf32, #tpu.memory_space<vmem>> -> memref<1x64x128xf32, #tpu.memory_space<vmem>>
      %dma_wait3A_396 = tpu.memref_squeeze %dma_wait3A_395 : memref<1x64x128xf32, #tpu.memory_space<vmem>> -> memref<64x128xf32, #tpu.memory_space<vmem>>
      %dma_wait3A_397 = arith.constant 0 : i32
      %dma_wait3A_398 = arith.constant 128 : i32
      %dma_wait3A_399 = tpu.memref_slice %arg4[%dma_wait3A_397, %dma_wait3A_398] : memref<64x5000xf32, #tpu.memory_space<hbm>> -> memref<64x128xf32, #tpu.memory_space<hbm>>
      tpu.wait_dma2 semaphore(%run_scoped3A_371 : memref<!tpu.dma_semaphore, #tpu.memory_space<semaphore_mem>>) src(%dma_wait3A_399 : memref<64x128xf32, #tpu.memory_space<hbm>>) dst(%dma_wait3A_396 : memref<64x128xf32, #tpu.memory_space<vmem>>)
      tpu.yield
    }) : () -> ()
    %iota3A = tpu.iota {dimensions = array<i32: 0>} : vector<16xi32>
    %add3A_4 = arith.constant 0 : i32
    %add3A_5 = vector.broadcast %add3A_4 : i32 to vector<16xi32>
    %add3A_6 = arith.addi %iota3A, %add3A_5 : vector<16xi32>
    %add3A_7 = arith.constant 16 : i32
    %add3A_8 = vector.broadcast %add3A_7 : i32 to vector<16xi32>
    %add3A_9 = arith.addi %iota3A, %add3A_8 : vector<16xi32>
    %add3A_10 = arith.constant 32 : i32
    %add3A_11 = vector.broadcast %add3A_10 : i32 to vector<16xi32>
    %add3A_12 = arith.addi %iota3A, %add3A_11 : vector<16xi32>
    %add3A_13 = arith.constant 48 : i32
    %add3A_14 = vector.broadcast %add3A_13 : i32 to vector<16xi32>
    %add3A_15 = arith.addi %iota3A, %add3A_14 : vector<16xi32>
    %add3A_16 = arith.constant 0 : i32
    %add3A_17 = arith.addi %mul3A_2, %add3A_16 : i32
    %jit3A = arith.constant 8 : i32
    %div3A = arith.divsi %add3A_17, %jit3A : i32
    %sign3A = arith.constant 0 : i32
    %sign3A_18 = arith.cmpi sgt, %add3A_17, %sign3A : i32
    %sign3A_19 = arith.extui %sign3A_18 : i1 to i32
    %sign3A_20 = arith.constant 0 : i32
    %sign3A_21 = arith.cmpi slt, %add3A_17, %sign3A_20 : i32
    %sign3A_22 = arith.extui %sign3A_21 : i1 to i32
    %sign3A_23 = arith.subi %sign3A_19, %sign3A_22 : i32
    %sign3A_24 = arith.constant 0 : i32
    %sign3A_25 = arith.cmpi sgt, %jit3A, %sign3A_24 : i32
    %sign3A_26 = arith.extui %sign3A_25 : i1 to i32
    %sign3A_27 = arith.constant 0 : i32
    %sign3A_28 = arith.cmpi slt, %jit3A, %sign3A_27 : i32
    %sign3A_29 = arith.extui %sign3A_28 : i1 to i32
    %sign3A_30 = arith.subi %sign3A_26, %sign3A_29 : i32
    %ne3A = arith.cmpi ne, %sign3A_23, %sign3A_30 : i32
    %rem3A = arith.remsi %add3A_17, %jit3A : i32
    %ne3A_31 = arith.constant 0 : i32
    %ne3A_32 = arith.cmpi ne, %rem3A, %ne3A_31 : i32
    %and3A = arith.andi %ne3A, %ne3A_32 : i1
    %sub3A = arith.constant 1 : i32
    %sub3A_33 = arith.subi %div3A, %sub3A : i32
    %select_n3A = arith.select %and3A, %sub3A_33, %div3A : i32
    %jit3A_34 = arith.constant 8 : i32
    %eq3A = arith.constant 0 : i32
    %eq3A_35 = arith.cmpi eq, %jit3A_34, %eq3A : i32
    %jit3A_36 = arith.constant 1 : i32
    %select_n3A_37 = arith.select %eq3A_35, %jit3A_36, %jit3A_34 : i32
    %rem3A_38 = arith.remsi %add3A_17, %select_n3A_37 : i32
    %ne3A_39 = arith.constant 0 : i32
    %ne3A_40 = arith.cmpi ne, %rem3A_38, %ne3A_39 : i32
    %lt3A = arith.constant 0 : i32
    %lt3A_41 = arith.cmpi slt, %rem3A_38, %lt3A : i32
    %lt3A_42 = arith.constant 0 : i32
    %lt3A_43 = arith.cmpi slt, %select_n3A_37, %lt3A_42 : i32
    %ne3A_44 = arith.xori %lt3A_41, %lt3A_43 : i1
    %and3A_45 = arith.andi %ne3A_44, %ne3A_40 : i1
    %add3A_46 = arith.addi %rem3A_38, %select_n3A_37 : i32
    %select_n3A_47 = arith.select %and3A_45, %add3A_46, %rem3A_38 : i32
    %mul3A_48 = arith.constant 128 : i32
    %mul3A_49 = arith.muli %select_n3A_47, %mul3A_48 : i32
    %dma_start3A = arith.constant 0 : i32
    %dma_start3A_50 = arith.constant 0 : i32
    %dma_start3A_51 = tpu.memref_slice %arg6[%dma_start3A, %dma_start3A_50] : memref<2x128xi32, #tpu.memory_space<vmem>> -> memref<1x128xi32, #tpu.memory_space<vmem>>
    %dma_start3A_52 = tpu.memref_squeeze %dma_start3A_51 : memref<1x128xi32, #tpu.memory_space<vmem>> -> memref<128xi32, #tpu.memory_space<vmem>>
    %dma_start3A_53 = tpu.memref_slice %arg2[%select_n3A, %mul3A_49] : memref<200x1024xi32, #tpu.memory_space<hbm>> -> memref<1x128xi32, #tpu.memory_space<hbm>>
    %dma_start3A_54 = tpu.memref_squeeze %dma_start3A_53 : memref<1x128xi32, #tpu.memory_space<hbm>> -> memref<128xi32, #tpu.memory_space<hbm>>
    %dma_start3A_55 = arith.constant 0 : i32
    %dma_start3A_56 = tpu.memref_slice %arg6[%dma_start3A, %dma_start3A_55] : memref<2x128xi32, #tpu.memory_space<vmem>> -> memref<1x128xi32, #tpu.memory_space<vmem>>
    %dma_start3A_57 = tpu.memref_squeeze %dma_start3A_56 : memref<1x128xi32, #tpu.memory_space<vmem>> -> memref<128xi32, #tpu.memory_space<vmem>>
    %dma_start3A_58 = tpu.memref_slice %arg2[%select_n3A, %mul3A_49] : memref<200x1024xi32, #tpu.memory_space<hbm>> -> memref<1x128xi32, #tpu.memory_space<hbm>>
    %dma_start3A_59 = tpu.memref_squeeze %dma_start3A_58 : memref<1x128xi32, #tpu.memory_space<hbm>> -> memref<128xi32, #tpu.memory_space<hbm>>
    tpu.enqueue_dma source(%dma_start3A_59 : memref<128xi32, #tpu.memory_space<hbm>>) target(%dma_start3A_57 : memref<128xi32, #tpu.memory_space<vmem>>) target_semaphore(%arg14 : memref<!tpu.dma_semaphore, #tpu.memory_space<semaphore_mem>>)
    %add3A_60 = arith.constant 0 : i32
    %add3A_61 = arith.addi %mul3A_2, %add3A_60 : i32
    %jit3A_62 = arith.constant 8 : i32
    %div3A_63 = arith.divsi %add3A_61, %jit3A_62 : i32
    %sign3A_64 = arith.constant 0 : i32
    %sign3A_65 = arith.cmpi sgt, %add3A_61, %sign3A_64 : i32
    %sign3A_66 = arith.extui %sign3A_65 : i1 to i32
    %sign3A_67 = arith.constant 0 : i32
    %sign3A_68 = arith.cmpi slt, %add3A_61, %sign3A_67 : i32
    %sign3A_69 = arith.extui %sign3A_68 : i1 to i32
    %sign3A_70 = arith.subi %sign3A_66, %sign3A_69 : i32
    %sign3A_71 = arith.constant 0 : i32
    %sign3A_72 = arith.cmpi sgt, %jit3A_62, %sign3A_71 : i32
    %sign3A_73 = arith.extui %sign3A_72 : i1 to i32
    %sign3A_74 = arith.constant 0 : i32
    %sign3A_75 = arith.cmpi slt, %jit3A_62, %sign3A_74 : i32
    %sign3A_76 = arith.extui %sign3A_75 : i1 to i32
    %sign3A_77 = arith.subi %sign3A_73, %sign3A_76 : i32
    %ne3A_78 = arith.cmpi ne, %sign3A_70, %sign3A_77 : i32
    %rem3A_79 = arith.remsi %add3A_61, %jit3A_62 : i32
    %ne3A_80 = arith.constant 0 : i32
    %ne3A_81 = arith.cmpi ne, %rem3A_79, %ne3A_80 : i32
    %and3A_82 = arith.andi %ne3A_78, %ne3A_81 : i1
    %sub3A_83 = arith.constant 1 : i32
    %sub3A_84 = arith.subi %div3A_63, %sub3A_83 : i32
    %select_n3A_85 = arith.select %and3A_82, %sub3A_84, %div3A_63 : i32
    %jit3A_86 = arith.constant 8 : i32
    %eq3A_87 = arith.constant 0 : i32
    %eq3A_88 = arith.cmpi eq, %jit3A_86, %eq3A_87 : i32
    %jit3A_89 = arith.constant 1 : i32
    %select_n3A_90 = arith.select %eq3A_88, %jit3A_89, %jit3A_86 : i32
    %rem3A_91 = arith.remsi %add3A_61, %select_n3A_90 : i32
    %ne3A_92 = arith.constant 0 : i32
    %ne3A_93 = arith.cmpi ne, %rem3A_91, %ne3A_92 : i32
    %lt3A_94 = arith.constant 0 : i32
    %lt3A_95 = arith.cmpi slt, %rem3A_91, %lt3A_94 : i32
    %lt3A_96 = arith.constant 0 : i32
    %lt3A_97 = arith.cmpi slt, %select_n3A_90, %lt3A_96 : i32
    %ne3A_98 = arith.xori %lt3A_95, %lt3A_97 : i1
    %and3A_99 = arith.andi %ne3A_98, %ne3A_93 : i1
    %add3A_100 = arith.addi %rem3A_91, %select_n3A_90 : i32
    %select_n3A_101 = arith.select %and3A_99, %add3A_100, %rem3A_91 : i32
    %mul3A_102 = arith.constant 128 : i32
    %mul3A_103 = arith.muli %select_n3A_101, %mul3A_102 : i32
    %dma_wait3A = arith.constant 0 : i32
    %dma_wait3A_104 = arith.constant 0 : i32
    %dma_wait3A_105 = tpu.memref_slice %arg6[%dma_wait3A, %dma_wait3A_104] : memref<2x128xi32, #tpu.memory_space<vmem>> -> memref<1x128xi32, #tpu.memory_space<vmem>>
    %dma_wait3A_106 = tpu.memref_squeeze %dma_wait3A_105 : memref<1x128xi32, #tpu.memory_space<vmem>> -> memref<128xi32, #tpu.memory_space<vmem>>
    %dma_wait3A_107 = tpu.memref_slice %arg2[%select_n3A_85, %mul3A_103] : memref<200x1024xi32, #tpu.memory_space<hbm>> -> memref<1x128xi32, #tpu.memory_space<hbm>>
    %dma_wait3A_108 = tpu.memref_squeeze %dma_wait3A_107 : memref<1x128xi32, #tpu.memory_space<hbm>> -> memref<128xi32, #tpu.memory_space<hbm>>
    %dma_wait3A_109 = arith.constant 0 : i32
    %dma_wait3A_110 = tpu.memref_slice %arg6[%dma_wait3A, %dma_wait3A_109] : memref<2x128xi32, #tpu.memory_space<vmem>> -> memref<1x128xi32, #tpu.memory_space<vmem>>
    %dma_wait3A_111 = tpu.memref_squeeze %dma_wait3A_110 : memref<1x128xi32, #tpu.memory_space<vmem>> -> memref<128xi32, #tpu.memory_space<vmem>>
    %dma_wait3A_112 = tpu.memref_slice %arg2[%select_n3A_85, %mul3A_103] : memref<200x1024xi32, #tpu.memory_space<hbm>> -> memref<1x128xi32, #tpu.memory_space<hbm>>
    %dma_wait3A_113 = tpu.memref_squeeze %dma_wait3A_112 : memref<1x128xi32, #tpu.memory_space<hbm>> -> memref<128xi32, #tpu.memory_space<hbm>>
    tpu.wait_dma2 semaphore(%arg14 : memref<!tpu.dma_semaphore, #tpu.memory_space<semaphore_mem>>) src(%dma_wait3A_113 : memref<128xi32, #tpu.memory_space<hbm>>) dst(%dma_wait3A_111 : memref<128xi32, #tpu.memory_space<vmem>>)
    %dma_start3A_114 = arith.constant 0 : i32
    %dma_start3A_115 = arith.constant 0 : i32
    %dma_start3A_116 = arith.constant 0 : i32
    %dma_start3A_117 = arith.constant 0 : i32
    %dma_start3A_118 = tpu.memref_slice %arg7[%dma_start3A_115, %dma_start3A_116, %dma_start3A_117] : memref<2x128x128xf32, #tpu.memory_space<vmem>> -> memref<1x128x128xf32, #tpu.memory_space<vmem>>
    %dma_start3A_119 = tpu.memref_squeeze %dma_start3A_118 : memref<1x128x128xf32, #tpu.memory_space<vmem>> -> memref<128x128xf32, #tpu.memory_space<vmem>>
    %dma_start3A_120 = arith.constant 0 : i32
    %dma_start3A_121 = tpu.memref_slice %arg6[%dma_start3A_114, %dma_start3A_120] : memref<2x128xi32, #tpu.memory_space<vmem>> -> memref<1x128xi32, #tpu.memory_space<vmem>>
    %dma_start3A_122 = tpu.memref_squeeze %dma_start3A_121 : memref<1x128xi32, #tpu.memory_space<vmem>> -> memref<128xi32, #tpu.memory_space<vmem>>
    %dma_start3A_123 = arith.constant 0 : i32
    %dma_start3A_124 = arith.constant 0 : i32
    %dma_start3A_125 = tpu.memref_slice %arg3[%dma_start3A_123, %dma_start3A_124] : memref<1000000x128xf32, #tpu.memory_space<hbm>> -> memref<1000000x128xf32, #tpu.memory_space<hbm>>
    tpu.enqueue_indirect_dma source(%dma_start3A_125 : memref<1000000x128xf32, #tpu.memory_space<hbm>>) target(%dma_start3A_119 : memref<128x128xf32, #tpu.memory_space<vmem>>) offsets(%dma_start3A_122 : memref<128xi32, #tpu.memory_space<vmem>>) semaphore(%arg10 : memref<!tpu.dma_semaphore, #tpu.memory_space<semaphore_mem>>)
    %add3A_126 = arith.constant 1 : i32
    %add3A_127 = arith.addi %mul3A_2, %add3A_126 : i32
    %jit3A_128 = arith.constant 8 : i32
    %div3A_129 = arith.divsi %add3A_127, %jit3A_128 : i32
    %sign3A_130 = arith.constant 0 : i32
    %sign3A_131 = arith.cmpi sgt, %add3A_127, %sign3A_130 : i32
    %sign3A_132 = arith.extui %sign3A_131 : i1 to i32
    %sign3A_133 = arith.constant 0 : i32
    %sign3A_134 = arith.cmpi slt, %add3A_127, %sign3A_133 : i32
    %sign3A_135 = arith.extui %sign3A_134 : i1 to i32
    %sign3A_136 = arith.subi %sign3A_132, %sign3A_135 : i32
    %sign3A_137 = arith.constant 0 : i32
    %sign3A_138 = arith.cmpi sgt, %jit3A_128, %sign3A_137 : i32
    %sign3A_139 = arith.extui %sign3A_138 : i1 to i32
    %sign3A_140 = arith.constant 0 : i32
    %sign3A_141 = arith.cmpi slt, %jit3A_128, %sign3A_140 : i32
    %sign3A_142 = arith.extui %sign3A_141 : i1 to i32
    %sign3A_143 = arith.subi %sign3A_139, %sign3A_142 : i32
    %ne3A_144 = arith.cmpi ne, %sign3A_136, %sign3A_143 : i32
    %rem3A_145 = arith.remsi %add3A_127, %jit3A_128 : i32
    %ne3A_146 = arith.constant 0 : i32
    %ne3A_147 = arith.cmpi ne, %rem3A_145, %ne3A_146 : i32
    %and3A_148 = arith.andi %ne3A_144, %ne3A_147 : i1
    %sub3A_149 = arith.constant 1 : i32
    %sub3A_150 = arith.subi %div3A_129, %sub3A_149 : i32
    %select_n3A_151 = arith.select %and3A_148, %sub3A_150, %div3A_129 : i32
    %jit3A_152 = arith.constant 8 : i32
    %eq3A_153 = arith.constant 0 : i32
    %eq3A_154 = arith.cmpi eq, %jit3A_152, %eq3A_153 : i32
    %jit3A_155 = arith.constant 1 : i32
    %select_n3A_156 = arith.select %eq3A_154, %jit3A_155, %jit3A_152 : i32
    %rem3A_157 = arith.remsi %add3A_127, %select_n3A_156 : i32
    %ne3A_158 = arith.constant 0 : i32
    %ne3A_159 = arith.cmpi ne, %rem3A_157, %ne3A_158 : i32
    %lt3A_160 = arith.constant 0 : i32
    %lt3A_161 = arith.cmpi slt, %rem3A_157, %lt3A_160 : i32
    %lt3A_162 = arith.constant 0 : i32
    %lt3A_163 = arith.cmpi slt, %select_n3A_156, %lt3A_162 : i32
    %ne3A_164 = arith.xori %lt3A_161, %lt3A_163 : i1
    %and3A_165 = arith.andi %ne3A_164, %ne3A_159 : i1
    %add3A_166 = arith.addi %rem3A_157, %select_n3A_156 : i32
    %select_n3A_167 = arith.select %and3A_165, %add3A_166, %rem3A_157 : i32
    %mul3A_168 = arith.constant 128 : i32
    %mul3A_169 = arith.muli %select_n3A_167, %mul3A_168 : i32
    %dma_start3A_170 = arith.constant 1 : i32
    %dma_start3A_171 = arith.constant 0 : i32
    %dma_start3A_172 = tpu.memref_slice %arg6[%dma_start3A_170, %dma_start3A_171] : memref<2x128xi32, #tpu.memory_space<vmem>> -> memref<1x128xi32, #tpu.memory_space<vmem>>
    %dma_start3A_173 = tpu.memref_squeeze %dma_start3A_172 : memref<1x128xi32, #tpu.memory_space<vmem>> -> memref<128xi32, #tpu.memory_space<vmem>>
    %dma_start3A_174 = tpu.memref_slice %arg2[%select_n3A_151, %mul3A_169] : memref<200x1024xi32, #tpu.memory_space<hbm>> -> memref<1x128xi32, #tpu.memory_space<hbm>>
    %dma_start3A_175 = tpu.memref_squeeze %dma_start3A_174 : memref<1x128xi32, #tpu.memory_space<hbm>> -> memref<128xi32, #tpu.memory_space<hbm>>
    %dma_start3A_176 = arith.constant 0 : i32
    %dma_start3A_177 = tpu.memref_slice %arg6[%dma_start3A_170, %dma_start3A_176] : memref<2x128xi32, #tpu.memory_space<vmem>> -> memref<1x128xi32, #tpu.memory_space<vmem>>
    %dma_start3A_178 = tpu.memref_squeeze %dma_start3A_177 : memref<1x128xi32, #tpu.memory_space<vmem>> -> memref<128xi32, #tpu.memory_space<vmem>>
    %dma_start3A_179 = tpu.memref_slice %arg2[%select_n3A_151, %mul3A_169] : memref<200x1024xi32, #tpu.memory_space<hbm>> -> memref<1x128xi32, #tpu.memory_space<hbm>>
    %dma_start3A_180 = tpu.memref_squeeze %dma_start3A_179 : memref<1x128xi32, #tpu.memory_space<hbm>> -> memref<128xi32, #tpu.memory_space<hbm>>
    tpu.enqueue_dma source(%dma_start3A_180 : memref<128xi32, #tpu.memory_space<hbm>>) target(%dma_start3A_178 : memref<128xi32, #tpu.memory_space<vmem>>) target_semaphore(%arg15 : memref<!tpu.dma_semaphore, #tpu.memory_space<semaphore_mem>>)
    %add3A_181 = arith.constant 1 : i32
    %add3A_182 = arith.addi %mul3A_2, %add3A_181 : i32
    %jit3A_183 = arith.constant 8 : i32
    %div3A_184 = arith.divsi %add3A_182, %jit3A_183 : i32
    %sign3A_185 = arith.constant 0 : i32
    %sign3A_186 = arith.cmpi sgt, %add3A_182, %sign3A_185 : i32
    %sign3A_187 = arith.extui %sign3A_186 : i1 to i32
    %sign3A_188 = arith.constant 0 : i32
    %sign3A_189 = arith.cmpi slt, %add3A_182, %sign3A_188 : i32
    %sign3A_190 = arith.extui %sign3A_189 : i1 to i32
    %sign3A_191 = arith.subi %sign3A_187, %sign3A_190 : i32
    %sign3A_192 = arith.constant 0 : i32
    %sign3A_193 = arith.cmpi sgt, %jit3A_183, %sign3A_192 : i32
    %sign3A_194 = arith.extui %sign3A_193 : i1 to i32
    %sign3A_195 = arith.constant 0 : i32
    %sign3A_196 = arith.cmpi slt, %jit3A_183, %sign3A_195 : i32
    %sign3A_197 = arith.extui %sign3A_196 : i1 to i32
    %sign3A_198 = arith.subi %sign3A_194, %sign3A_197 : i32
    %ne3A_199 = arith.cmpi ne, %sign3A_191, %sign3A_198 : i32
    %rem3A_200 = arith.remsi %add3A_182, %jit3A_183 : i32
    %ne3A_201 = arith.constant 0 : i32
    %ne3A_202 = arith.cmpi ne, %rem3A_200, %ne3A_201 : i32
    %and3A_203 = arith.andi %ne3A_199, %ne3A_202 : i1
    %sub3A_204 = arith.constant 1 : i32
    %sub3A_205 = arith.subi %div3A_184, %sub3A_204 : i32
    %select_n3A_206 = arith.select %and3A_203, %sub3A_205, %div3A_184 : i32
    %jit3A_207 = arith.constant 8 : i32
    %eq3A_208 = arith.constant 0 : i32
    %eq3A_209 = arith.cmpi eq, %jit3A_207, %eq3A_208 : i32
    %jit3A_210 = arith.constant 1 : i32
    %select_n3A_211 = arith.select %eq3A_209, %jit3A_210, %jit3A_207 : i32
    %rem3A_212 = arith.remsi %add3A_182, %select_n3A_211 : i32
    %ne3A_213 = arith.constant 0 : i32
    %ne3A_214 = arith.cmpi ne, %rem3A_212, %ne3A_213 : i32
    %lt3A_215 = arith.constant 0 : i32
    %lt3A_216 = arith.cmpi slt, %rem3A_212, %lt3A_215 : i32
    %lt3A_217 = arith.constant 0 : i32
    %lt3A_218 = arith.cmpi slt, %select_n3A_211, %lt3A_217 : i32
    %ne3A_219 = arith.xori %lt3A_216, %lt3A_218 : i1
    %and3A_220 = arith.andi %ne3A_219, %ne3A_214 : i1
    %add3A_221 = arith.addi %rem3A_212, %select_n3A_211 : i32
    %select_n3A_222 = arith.select %and3A_220, %add3A_221, %rem3A_212 : i32
    %mul3A_223 = arith.constant 128 : i32
    %mul3A_224 = arith.muli %select_n3A_222, %mul3A_223 : i32
    %dma_wait3A_225 = arith.constant 1 : i32
    %dma_wait3A_226 = arith.constant 0 : i32
    %dma_wait3A_227 = tpu.memref_slice %arg6[%dma_wait3A_225, %dma_wait3A_226] : memref<2x128xi32, #tpu.memory_space<vmem>> -> memref<1x128xi32, #tpu.memory_space<vmem>>
    %dma_wait3A_228 = tpu.memref_squeeze %dma_wait3A_227 : memref<1x128xi32, #tpu.memory_space<vmem>> -> memref<128xi32, #tpu.memory_space<vmem>>
    %dma_wait3A_229 = tpu.memref_slice %arg2[%select_n3A_206, %mul3A_224] : memref<200x1024xi32, #tpu.memory_space<hbm>> -> memref<1x128xi32, #tpu.memory_space<hbm>>
    %dma_wait3A_230 = tpu.memref_squeeze %dma_wait3A_229 : memref<1x128xi32, #tpu.memory_space<hbm>> -> memref<128xi32, #tpu.memory_space<hbm>>
    %dma_wait3A_231 = arith.constant 0 : i32
    %dma_wait3A_232 = tpu.memref_slice %arg6[%dma_wait3A_225, %dma_wait3A_231] : memref<2x128xi32, #tpu.memory_space<vmem>> -> memref<1x128xi32, #tpu.memory_space<vmem>>
    %dma_wait3A_233 = tpu.memref_squeeze %dma_wait3A_232 : memref<1x128xi32, #tpu.memory_space<vmem>> -> memref<128xi32, #tpu.memory_space<vmem>>
    %dma_wait3A_234 = tpu.memref_slice %arg2[%select_n3A_206, %mul3A_224] : memref<200x1024xi32, #tpu.memory_space<hbm>> -> memref<1x128xi32, #tpu.memory_space<hbm>>
    %dma_wait3A_235 = tpu.memref_squeeze %dma_wait3A_234 : memref<1x128xi32, #tpu.memory_space<hbm>> -> memref<128xi32, #tpu.memory_space<hbm>>
    tpu.wait_dma2 semaphore(%arg15 : memref<!tpu.dma_semaphore, #tpu.memory_space<semaphore_mem>>) src(%dma_wait3A_235 : memref<128xi32, #tpu.memory_space<hbm>>) dst(%dma_wait3A_233 : memref<128xi32, #tpu.memory_space<vmem>>)
    %dma_start3A_236 = arith.constant 1 : i32
    %dma_start3A_237 = arith.constant 1 : i32
    %dma_start3A_238 = arith.constant 0 : i32
    %dma_start3A_239 = arith.constant 0 : i32
    %dma_start3A_240 = tpu.memref_slice %arg7[%dma_start3A_237, %dma_start3A_238, %dma_start3A_239] : memref<2x128x128xf32, #tpu.memory_space<vmem>> -> memref<1x128x128xf32, #tpu.memory_space<vmem>>
    %dma_start3A_241 = tpu.memref_squeeze %dma_start3A_240 : memref<1x128x128xf32, #tpu.memory_space<vmem>> -> memref<128x128xf32, #tpu.memory_space<vmem>>
    %dma_start3A_242 = arith.constant 0 : i32
    %dma_start3A_243 = tpu.memref_slice %arg6[%dma_start3A_236, %dma_start3A_242] : memref<2x128xi32, #tpu.memory_space<vmem>> -> memref<1x128xi32, #tpu.memory_space<vmem>>
    %dma_start3A_244 = tpu.memref_squeeze %dma_start3A_243 : memref<1x128xi32, #tpu.memory_space<vmem>> -> memref<128xi32, #tpu.memory_space<vmem>>
    %dma_start3A_245 = arith.constant 0 : i32
    %dma_start3A_246 = arith.constant 0 : i32
    %dma_start3A_247 = tpu.memref_slice %arg3[%dma_start3A_245, %dma_start3A_246] : memref<1000000x128xf32, #tpu.memory_space<hbm>> -> memref<1000000x128xf32, #tpu.memory_space<hbm>>
    tpu.enqueue_indirect_dma source(%dma_start3A_247 : memref<1000000x128xf32, #tpu.memory_space<hbm>>) target(%dma_start3A_241 : memref<128x128xf32, #tpu.memory_space<vmem>>) offsets(%dma_start3A_244 : memref<128xi32, #tpu.memory_space<vmem>>) semaphore(%arg11 : memref<!tpu.dma_semaphore, #tpu.memory_space<semaphore_mem>>)
    %scan3A = arith.constant 0 : i32
    %scan3A_248 = arith.constant 0 : i32
    %scan3A_249 = arith.constant 25 : i32
    %scan3A_250 = arith.addi %scan3A_248, %scan3A_249 : i32
    %scan3A_251 = arith.constant 1 : i32
    scf.for %scan3A_371 = %scan3A_248 to %scan3A_250 step %scan3A_251  : i32 {
      %mul3A_372 = arith.constant 2 : i32
      %mul3A_373 = arith.muli %mul3A_372, %scan3A_371 : i32
      %add3A_374 = arith.constant 0 : i32
      %add3A_375 = arith.addi %mul3A_373, %add3A_374 : i32
      %add3A_376 = arith.addi %mul3A_2, %add3A_375 : i32
      %jit3A_377 = arith.constant 8 : i32
      %div3A_378 = arith.divsi %add3A_376, %jit3A_377 : i32
      %sign3A_379 = arith.constant 0 : i32
      %sign3A_380 = arith.cmpi sgt, %add3A_376, %sign3A_379 : i32
      %sign3A_381 = arith.extui %sign3A_380 : i1 to i32
      %sign3A_382 = arith.constant 0 : i32
      %sign3A_383 = arith.cmpi slt, %add3A_376, %sign3A_382 : i32
      %sign3A_384 = arith.extui %sign3A_383 : i1 to i32
      %sign3A_385 = arith.subi %sign3A_381, %sign3A_384 : i32
      %sign3A_386 = arith.constant 0 : i32
      %sign3A_387 = arith.cmpi sgt, %jit3A_377, %sign3A_386 : i32
      %sign3A_388 = arith.extui %sign3A_387 : i1 to i32
      %sign3A_389 = arith.constant 0 : i32
      %sign3A_390 = arith.cmpi slt, %jit3A_377, %sign3A_389 : i32
      %sign3A_391 = arith.extui %sign3A_390 : i1 to i32
      %sign3A_392 = arith.subi %sign3A_388, %sign3A_391 : i32
      %ne3A_393 = arith.cmpi ne, %sign3A_385, %sign3A_392 : i32
      %rem3A_394 = arith.remsi %add3A_376, %jit3A_377 : i32
      %ne3A_395 = arith.constant 0 : i32
      %ne3A_396 = arith.cmpi ne, %rem3A_394, %ne3A_395 : i32
      %and3A_397 = arith.andi %ne3A_393, %ne3A_396 : i1
      %sub3A_398 = arith.constant 1 : i32
      %sub3A_399 = arith.subi %div3A_378, %sub3A_398 : i32
      %select_n3A_400 = arith.select %and3A_397, %sub3A_399, %div3A_378 : i32
      %jit3A_401 = arith.constant 8 : i32
      %eq3A_402 = arith.constant 0 : i32
      %eq3A_403 = arith.cmpi eq, %jit3A_401, %eq3A_402 : i32
      %jit3A_404 = arith.constant 1 : i32
      %select_n3A_405 = arith.select %eq3A_403, %jit3A_404, %jit3A_401 : i32
      %rem3A_406 = arith.remsi %add3A_376, %select_n3A_405 : i32
      %ne3A_407 = arith.constant 0 : i32
      %ne3A_408 = arith.cmpi ne, %rem3A_406, %ne3A_407 : i32
      %lt3A_409 = arith.constant 0 : i32
      %lt3A_410 = arith.cmpi slt, %rem3A_406, %lt3A_409 : i32
      %lt3A_411 = arith.constant 0 : i32
      %lt3A_412 = arith.cmpi slt, %select_n3A_405, %lt3A_411 : i32
      %ne3A_413 = arith.xori %lt3A_410, %lt3A_412 : i1
      %and3A_414 = arith.andi %ne3A_413, %ne3A_408 : i1
      %add3A_415 = arith.addi %rem3A_406, %select_n3A_405 : i32
      %select_n3A_416 = arith.select %and3A_414, %add3A_415, %rem3A_406 : i32
      %mul3A_417 = arith.constant 128 : i32
      %mul3A_418 = arith.muli %select_n3A_416, %mul3A_417 : i32
      %dma_wait3A_419 = arith.constant 0 : i32
      %dma_wait3A_420 = arith.constant 0 : i32
      %dma_wait3A_421 = arith.constant 0 : i32
      %dma_wait3A_422 = arith.constant 0 : i32
      %dma_wait3A_423 = tpu.memref_slice %arg7[%dma_wait3A_420, %dma_wait3A_421, %dma_wait3A_422] : memref<2x128x128xf32, #tpu.memory_space<vmem>> -> memref<1x128x128xf32, #tpu.memory_space<vmem>>
      %dma_wait3A_424 = tpu.memref_squeeze %dma_wait3A_423 : memref<1x128x128xf32, #tpu.memory_space<vmem>> -> memref<128x128xf32, #tpu.memory_space<vmem>>
      %dma_wait3A_425 = arith.constant 0 : i32
      %dma_wait3A_426 = tpu.memref_slice %arg6[%dma_wait3A_419, %dma_wait3A_425] : memref<2x128xi32, #tpu.memory_space<vmem>> -> memref<1x128xi32, #tpu.memory_space<vmem>>
      %dma_wait3A_427 = tpu.memref_squeeze %dma_wait3A_426 : memref<1x128xi32, #tpu.memory_space<vmem>> -> memref<128xi32, #tpu.memory_space<vmem>>
      %dma_wait3A_428 = arith.constant 0 : i32
      %dma_wait3A_429 = arith.constant 0 : i32
      %dma_wait3A_430 = tpu.memref_slice %arg3[%dma_wait3A_428, %dma_wait3A_429] : memref<1000000x128xf32, #tpu.memory_space<hbm>> -> memref<1000000x128xf32, #tpu.memory_space<hbm>>
      tpu.wait_indirect_dma semaphore(%arg10 : memref<!tpu.dma_semaphore, #tpu.memory_space<semaphore_mem>>) src(%dma_wait3A_430 : memref<1000000x128xf32, #tpu.memory_space<hbm>>) dst(%dma_wait3A_424 : memref<128x128xf32, #tpu.memory_space<vmem>>)
      %add3A_431 = arith.constant 2 : i32
      %add3A_432 = arith.addi %add3A_375, %add3A_431 : i32
      %lt3A_433 = arith.constant 50 : i32
      %lt3A_434 = arith.cmpi slt, %add3A_432, %lt3A_433 : i32
      %convert_element_type3A = arith.extui %lt3A_434 : i1 to i32
      %cond3A = arith.constant 0 : i32
      %cond3A_435 = arith.cmpi ne, %convert_element_type3A, %cond3A : i32
      scf.if %cond3A_435 {
        %add3A_700 = arith.constant 2 : i32
        %add3A_701 = arith.addi %add3A_375, %add3A_700 : i32
        %add3A_702 = arith.addi %mul3A_2, %add3A_701 : i32
        %jit3A_703 = arith.constant 8 : i32
        %div3A_704 = arith.divsi %add3A_702, %jit3A_703 : i32
        %sign3A_705 = arith.constant 0 : i32
        %sign3A_706 = arith.cmpi sgt, %add3A_702, %sign3A_705 : i32
        %sign3A_707 = arith.extui %sign3A_706 : i1 to i32
        %sign3A_708 = arith.constant 0 : i32
        %sign3A_709 = arith.cmpi slt, %add3A_702, %sign3A_708 : i32
        %sign3A_710 = arith.extui %sign3A_709 : i1 to i32
        %sign3A_711 = arith.subi %sign3A_707, %sign3A_710 : i32
        %sign3A_712 = arith.constant 0 : i32
        %sign3A_713 = arith.cmpi sgt, %jit3A_703, %sign3A_712 : i32
        %sign3A_714 = arith.extui %sign3A_713 : i1 to i32
        %sign3A_715 = arith.constant 0 : i32
        %sign3A_716 = arith.cmpi slt, %jit3A_703, %sign3A_715 : i32
        %sign3A_717 = arith.extui %sign3A_716 : i1 to i32
        %sign3A_718 = arith.subi %sign3A_714, %sign3A_717 : i32
        %ne3A_719 = arith.cmpi ne, %sign3A_711, %sign3A_718 : i32
        %rem3A_720 = arith.remsi %add3A_702, %jit3A_703 : i32
        %ne3A_721 = arith.constant 0 : i32
        %ne3A_722 = arith.cmpi ne, %rem3A_720, %ne3A_721 : i32
        %and3A_723 = arith.andi %ne3A_719, %ne3A_722 : i1
        %sub3A_724 = arith.constant 1 : i32
        %sub3A_725 = arith.subi %div3A_704, %sub3A_724 : i32
        %select_n3A_726 = arith.select %and3A_723, %sub3A_725, %div3A_704 : i32
        %jit3A_727 = arith.constant 8 : i32
        %eq3A_728 = arith.constant 0 : i32
        %eq3A_729 = arith.cmpi eq, %jit3A_727, %eq3A_728 : i32
        %jit3A_730 = arith.constant 1 : i32
        %select_n3A_731 = arith.select %eq3A_729, %jit3A_730, %jit3A_727 : i32
        %rem3A_732 = arith.remsi %add3A_702, %select_n3A_731 : i32
        %ne3A_733 = arith.constant 0 : i32
        %ne3A_734 = arith.cmpi ne, %rem3A_732, %ne3A_733 : i32
        %lt3A_735 = arith.constant 0 : i32
        %lt3A_736 = arith.cmpi slt, %rem3A_732, %lt3A_735 : i32
        %lt3A_737 = arith.constant 0 : i32
        %lt3A_738 = arith.cmpi slt, %select_n3A_731, %lt3A_737 : i32
        %ne3A_739 = arith.xori %lt3A_736, %lt3A_738 : i1
        %and3A_740 = arith.andi %ne3A_739, %ne3A_734 : i1
        %add3A_741 = arith.addi %rem3A_732, %select_n3A_731 : i32
        %select_n3A_742 = arith.select %and3A_740, %add3A_741, %rem3A_732 : i32
        %mul3A_743 = arith.constant 128 : i32
        %mul3A_744 = arith.muli %select_n3A_742, %mul3A_743 : i32
        %dma_start3A_745 = arith.constant 0 : i32
        %dma_start3A_746 = arith.constant 0 : i32
        %dma_start3A_747 = tpu.memref_slice %arg6[%dma_start3A_745, %dma_start3A_746] : memref<2x128xi32, #tpu.memory_space<vmem>> -> memref<1x128xi32, #tpu.memory_space<vmem>>
        %dma_start3A_748 = tpu.memref_squeeze %dma_start3A_747 : memref<1x128xi32, #tpu.memory_space<vmem>> -> memref<128xi32, #tpu.memory_space<vmem>>
        %dma_start3A_749 = tpu.memref_slice %arg2[%select_n3A_726, %mul3A_744] : memref<200x1024xi32, #tpu.memory_space<hbm>> -> memref<1x128xi32, #tpu.memory_space<hbm>>
        %dma_start3A_750 = tpu.memref_squeeze %dma_start3A_749 : memref<1x128xi32, #tpu.memory_space<hbm>> -> memref<128xi32, #tpu.memory_space<hbm>>
        %dma_start3A_751 = arith.constant 0 : i32
        %dma_start3A_752 = tpu.memref_slice %arg6[%dma_start3A_745, %dma_start3A_751] : memref<2x128xi32, #tpu.memory_space<vmem>> -> memref<1x128xi32, #tpu.memory_space<vmem>>
        %dma_start3A_753 = tpu.memref_squeeze %dma_start3A_752 : memref<1x128xi32, #tpu.memory_space<vmem>> -> memref<128xi32, #tpu.memory_space<vmem>>
        %dma_start3A_754 = tpu.memref_slice %arg2[%select_n3A_726, %mul3A_744] : memref<200x1024xi32, #tpu.memory_space<hbm>> -> memref<1x128xi32, #tpu.memory_space<hbm>>
        %dma_start3A_755 = tpu.memref_squeeze %dma_start3A_754 : memref<1x128xi32, #tpu.memory_space<hbm>> -> memref<128xi32, #tpu.memory_space<hbm>>
        tpu.enqueue_dma source(%dma_start3A_755 : memref<128xi32, #tpu.memory_space<hbm>>) target(%dma_start3A_753 : memref<128xi32, #tpu.memory_space<vmem>>) target_semaphore(%arg14 : memref<!tpu.dma_semaphore, #tpu.memory_space<semaphore_mem>>)
      } else {
      }
      %ge3A = arith.constant 2 : i32
      %ge3A_436 = arith.cmpi sge, %add3A_375, %ge3A : i32
      %convert_element_type3A_437 = arith.extui %ge3A_436 : i1 to i32
      %cond3A_438 = arith.constant 0 : i32
      %cond3A_439 = arith.cmpi ne, %convert_element_type3A_437, %cond3A_438 : i32
      scf.if %cond3A_439 {
        %sub3A_700 = arith.constant 2 : i32
        %sub3A_701 = arith.subi %add3A_375, %sub3A_700 : i32
        %add3A_702 = arith.addi %mul3A_2, %sub3A_701 : i32
        %jit3A_703 = arith.constant 8 : i32
        %div3A_704 = arith.divsi %add3A_702, %jit3A_703 : i32
        %sign3A_705 = arith.constant 0 : i32
        %sign3A_706 = arith.cmpi sgt, %add3A_702, %sign3A_705 : i32
        %sign3A_707 = arith.extui %sign3A_706 : i1 to i32
        %sign3A_708 = arith.constant 0 : i32
        %sign3A_709 = arith.cmpi slt, %add3A_702, %sign3A_708 : i32
        %sign3A_710 = arith.extui %sign3A_709 : i1 to i32
        %sign3A_711 = arith.subi %sign3A_707, %sign3A_710 : i32
        %sign3A_712 = arith.constant 0 : i32
        %sign3A_713 = arith.cmpi sgt, %jit3A_703, %sign3A_712 : i32
        %sign3A_714 = arith.extui %sign3A_713 : i1 to i32
        %sign3A_715 = arith.constant 0 : i32
        %sign3A_716 = arith.cmpi slt, %jit3A_703, %sign3A_715 : i32
        %sign3A_717 = arith.extui %sign3A_716 : i1 to i32
        %sign3A_718 = arith.subi %sign3A_714, %sign3A_717 : i32
        %ne3A_719 = arith.cmpi ne, %sign3A_711, %sign3A_718 : i32
        %rem3A_720 = arith.remsi %add3A_702, %jit3A_703 : i32
        %ne3A_721 = arith.constant 0 : i32
        %ne3A_722 = arith.cmpi ne, %rem3A_720, %ne3A_721 : i32
        %and3A_723 = arith.andi %ne3A_719, %ne3A_722 : i1
        %sub3A_724 = arith.constant 1 : i32
        %sub3A_725 = arith.subi %div3A_704, %sub3A_724 : i32
        %select_n3A_726 = arith.select %and3A_723, %sub3A_725, %div3A_704 : i32
        %jit3A_727 = arith.constant 8 : i32
        %eq3A_728 = arith.constant 0 : i32
        %eq3A_729 = arith.cmpi eq, %jit3A_727, %eq3A_728 : i32
        %jit3A_730 = arith.constant 1 : i32
        %select_n3A_731 = arith.select %eq3A_729, %jit3A_730, %jit3A_727 : i32
        %rem3A_732 = arith.remsi %add3A_702, %select_n3A_731 : i32
        %ne3A_733 = arith.constant 0 : i32
        %ne3A_734 = arith.cmpi ne, %rem3A_732, %ne3A_733 : i32
        %lt3A_735 = arith.constant 0 : i32
        %lt3A_736 = arith.cmpi slt, %rem3A_732, %lt3A_735 : i32
        %lt3A_737 = arith.constant 0 : i32
        %lt3A_738 = arith.cmpi slt, %select_n3A_731, %lt3A_737 : i32
        %ne3A_739 = arith.xori %lt3A_736, %lt3A_738 : i1
        %and3A_740 = arith.andi %ne3A_739, %ne3A_734 : i1
        %add3A_741 = arith.addi %rem3A_732, %select_n3A_731 : i32
        %select_n3A_742 = arith.select %and3A_740, %add3A_741, %rem3A_732 : i32
        %mul3A_743 = arith.constant 128 : i32
        %mul3A_744 = arith.muli %select_n3A_742, %mul3A_743 : i32
        %dma_wait3A_745 = arith.constant 0 : i32
        %dma_wait3A_746 = arith.constant 0 : i32
        %dma_wait3A_747 = arith.constant 0 : i32
        %dma_wait3A_748 = tpu.memref_slice %arg9[%dma_wait3A_745, %dma_wait3A_746, %dma_wait3A_747] : memref<2x128x64xf32, #tpu.memory_space<vmem>> -> memref<1x128x64xf32, #tpu.memory_space<vmem>>
        %dma_wait3A_749 = tpu.memref_squeeze %dma_wait3A_748 : memref<1x128x64xf32, #tpu.memory_space<vmem>> -> memref<128x64xf32, #tpu.memory_space<vmem>>
        %dma_wait3A_750 = arith.constant 0 : i32
        %dma_wait3A_751 = tpu.memref_slice %arg5[%select_n3A_726, %mul3A_744, %dma_wait3A_750] : memref<200x1024x64xf32, #tpu.memory_space<hbm>> -> memref<1x128x64xf32, #tpu.memory_space<hbm>>
        %dma_wait3A_752 = tpu.memref_squeeze %dma_wait3A_751 : memref<1x128x64xf32, #tpu.memory_space<hbm>> -> memref<128x64xf32, #tpu.memory_space<hbm>>
        %dma_wait3A_753 = arith.constant 0 : i32
        %dma_wait3A_754 = tpu.memref_slice %arg5[%select_n3A_726, %mul3A_744, %dma_wait3A_753] : memref<200x1024x64xf32, #tpu.memory_space<hbm>> -> memref<1x128x64xf32, #tpu.memory_space<hbm>>
        %dma_wait3A_755 = tpu.memref_squeeze %dma_wait3A_754 : memref<1x128x64xf32, #tpu.memory_space<hbm>> -> memref<128x64xf32, #tpu.memory_space<hbm>>
        %dma_wait3A_756 = arith.constant 0 : i32
        %dma_wait3A_757 = arith.constant 0 : i32
        %dma_wait3A_758 = tpu.memref_slice %arg9[%dma_wait3A_745, %dma_wait3A_756, %dma_wait3A_757] : memref<2x128x64xf32, #tpu.memory_space<vmem>> -> memref<1x128x64xf32, #tpu.memory_space<vmem>>
        %dma_wait3A_759 = tpu.memref_squeeze %dma_wait3A_758 : memref<1x128x64xf32, #tpu.memory_space<vmem>> -> memref<128x64xf32, #tpu.memory_space<vmem>>
        tpu.wait_dma2 semaphore(%arg12 : memref<!tpu.dma_semaphore, #tpu.memory_space<semaphore_mem>>) src(%dma_wait3A_759 : memref<128x64xf32, #tpu.memory_space<vmem>>) dst(%dma_wait3A_755 : memref<128x64xf32, #tpu.memory_space<hbm>>)
      } else {
      }
      %shift_right_arithmetic3A = arith.constant 7 : i32
      %shift_right_arithmetic3A_440 = arith.shrsi %select_n3A_400, %shift_right_arithmetic3A : i32
      %and3A_441 = arith.constant 127 : i32
      %and3A_442 = arith.andi %select_n3A_400, %and3A_441 : i32
      %broadcast_in_dim3A = vector.broadcast %and3A_442 : i32 to vector<16xi32>
      %gather3A = arith.constant 0 : i32
      %gather3A_443 = arith.constant 0 : i32
      %gather3A_444 = tpu.memref_slice %arg8[%shift_right_arithmetic3A_440, %gather3A, %gather3A_443] : memref<2x64x128xf32, #tpu.memory_space<vmem>> -> memref<1x64x128xf32, #tpu.memory_space<vmem>>
      %gather3A_445 = tpu.memref_squeeze %gather3A_444 : memref<1x64x128xf32, #tpu.memory_space<vmem>> -> memref<64x128xf32, #tpu.memory_space<vmem>>
      %gather3A_446 = tpu.vector_load_idx %gather3A_445[%add3A_6, %broadcast_in_dim3A] : memref<64x128xf32, #tpu.memory_space<vmem>>[vector<16xi32>, vector<16xi32>], vector<16xf32>,
      %gather3A_447 = arith.constant 0 : i32
      %gather3A_448 = arith.constant 0 : i32
      %gather3A_449 = tpu.memref_slice %arg8[%shift_right_arithmetic3A_440, %gather3A_447, %gather3A_448] : memref<2x64x128xf32, #tpu.memory_space<vmem>> -> memref<1x64x128xf32, #tpu.memory_space<vmem>>
      %gather3A_450 = tpu.memref_squeeze %gather3A_449 : memref<1x64x128xf32, #tpu.memory_space<vmem>> -> memref<64x128xf32, #tpu.memory_space<vmem>>
      %gather3A_451 = tpu.vector_load_idx %gather3A_450[%add3A_9, %broadcast_in_dim3A] : memref<64x128xf32, #tpu.memory_space<vmem>>[vector<16xi32>, vector<16xi32>], vector<16xf32>,
      %gather3A_452 = arith.constant 0 : i32
      %gather3A_453 = arith.constant 0 : i32
      %gather3A_454 = tpu.memref_slice %arg8[%shift_right_arithmetic3A_440, %gather3A_452, %gather3A_453] : memref<2x64x128xf32, #tpu.memory_space<vmem>> -> memref<1x64x128xf32, #tpu.memory_space<vmem>>
      %gather3A_455 = tpu.memref_squeeze %gather3A_454 : memref<1x64x128xf32, #tpu.memory_space<vmem>> -> memref<64x128xf32, #tpu.memory_space<vmem>>
      %gather3A_456 = tpu.vector_load_idx %gather3A_455[%add3A_12, %broadcast_in_dim3A] : memref<64x128xf32, #tpu.memory_space<vmem>>[vector<16xi32>, vector<16xi32>], vector<16xf32>,
      %gather3A_457 = arith.constant 0 : i32
      %gather3A_458 = arith.constant 0 : i32
      %gather3A_459 = tpu.memref_slice %arg8[%shift_right_arithmetic3A_440, %gather3A_457, %gather3A_458] : memref<2x64x128xf32, #tpu.memory_space<vmem>> -> memref<1x64x128xf32, #tpu.memory_space<vmem>>
      %gather3A_460 = tpu.memref_squeeze %gather3A_459 : memref<1x64x128xf32, #tpu.memory_space<vmem>> -> memref<64x128xf32, #tpu.memory_space<vmem>>
      %gather3A_461 = tpu.vector_load_idx %gather3A_460[%add3A_15, %broadcast_in_dim3A] : memref<64x128xf32, #tpu.memory_space<vmem>>[vector<16xi32>, vector<16xi32>], vector<16xf32>,
      %scan3A_462 = arith.constant 0 : i32
      %scan3A_463 = arith.constant 0 : i32
      %scan3A_464 = arith.constant 32 : i32
      %scan3A_465 = arith.addi %scan3A_463, %scan3A_464 : i32
      %scan3A_466 = arith.constant 1 : i32
      scf.for %scan3A_700 = %scan3A_463 to %scan3A_465 step %scan3A_466  : i32 {
        %mul3A_701 = arith.constant 4 : i32
        %mul3A_702 = arith.muli %scan3A_700, %mul3A_701 : i32
        %add3A_703 = arith.constant 0 : i32
        %add3A_704 = arith.addi %mul3A_702, %add3A_703 : i32
        %get3A = arith.constant 0 : i32
        %get3A_705 = arith.index_cast %get3A : i32 to index
        %get3A_706 = arith.index_cast %add3A_704 : i32 to index
        %get3A_707 = arith.constant 0 : index
        %get3A_708 = tpu.vector_load %arg7[%get3A_705, %get3A_706, %get3A_707] {strides = array<i32>} : memref<2x128x128xf32, #tpu.memory_space<vmem>>, vector<16xf32>,
        %add3A_709 = arith.addf %get3A_708, %gather3A_446 : vector<16xf32>
        %swap3A = arith.constant 0 : i32
        %swap3A_710 = arith.index_cast %swap3A : i32 to index
        %swap3A_711 = arith.index_cast %add3A_704 : i32 to index
        %swap3A_712 = arith.constant 0 : index
        %swap3A_713 = tpu.vector_load %arg9[%swap3A_710, %swap3A_711, %swap3A_712] {strides = array<i32>} : memref<2x128x64xf32, #tpu.memory_space<vmem>>, vector<16xf32>,
        tpu.vector_store %arg9[%swap3A_710, %swap3A_711, %swap3A_712], %add3A_709 {strides = array<i32>} : memref<2x128x64xf32, #tpu.memory_space<vmem>>, vector<16xf32>,
        %get3A_714 = arith.constant 0 : i32
        %get3A_715 = arith.index_cast %get3A_714 : i32 to index
        %get3A_716 = arith.index_cast %add3A_704 : i32 to index
        %get3A_717 = arith.constant 16 : index
        %get3A_718 = tpu.vector_load %arg7[%get3A_715, %get3A_716, %get3A_717] {strides = array<i32>} : memref<2x128x128xf32, #tpu.memory_space<vmem>>, vector<16xf32>,
        %add3A_719 = arith.addf %get3A_718, %gather3A_451 : vector<16xf32>
        %swap3A_720 = arith.constant 0 : i32
        %swap3A_721 = arith.index_cast %swap3A_720 : i32 to index
        %swap3A_722 = arith.index_cast %add3A_704 : i32 to index
        %swap3A_723 = arith.constant 16 : index
        %swap3A_724 = tpu.vector_load %arg9[%swap3A_721, %swap3A_722, %swap3A_723] {strides = array<i32>} : memref<2x128x64xf32, #tpu.memory_space<vmem>>, vector<16xf32>,
        tpu.vector_store %arg9[%swap3A_721, %swap3A_722, %swap3A_723], %add3A_719 {strides = array<i32>} : memref<2x128x64xf32, #tpu.memory_space<vmem>>, vector<16xf32>,
        %get3A_725 = arith.constant 0 : i32
        %get3A_726 = arith.index_cast %get3A_725 : i32 to index
        %get3A_727 = arith.index_cast %add3A_704 : i32 to index
        %get3A_728 = arith.constant 32 : index
        %get3A_729 = tpu.vector_load %arg7[%get3A_726, %get3A_727, %get3A_728] {strides = array<i32>} : memref<2x128x128xf32, #tpu.memory_space<vmem>>, vector<16xf32>,
        %add3A_730 = arith.addf %get3A_729, %gather3A_456 : vector<16xf32>
        %swap3A_731 = arith.constant 0 : i32
        %swap3A_732 = arith.index_cast %swap3A_731 : i32 to index
        %swap3A_733 = arith.index_cast %add3A_704 : i32 to index
        %swap3A_734 = arith.constant 32 : index
        %swap3A_735 = tpu.vector_load %arg9[%swap3A_732, %swap3A_733, %swap3A_734] {strides = array<i32>} : memref<2x128x64xf32, #tpu.memory_space<vmem>>, vector<16xf32>,
        tpu.vector_store %arg9[%swap3A_732, %swap3A_733, %swap3A_734], %add3A_730 {strides = array<i32>} : memref<2x128x64xf32, #tpu.memory_space<vmem>>, vector<16xf32>,
        %get3A_736 = arith.constant 0 : i32
        %get3A_737 = arith.index_cast %get3A_736 : i32 to index
        %get3A_738 = arith.index_cast %add3A_704 : i32 to index
        %get3A_739 = arith.constant 48 : index
        %get3A_740 = tpu.vector_load %arg7[%get3A_737, %get3A_738, %get3A_739] {strides = array<i32>} : memref<2x128x128xf32, #tpu.memory_space<vmem>>, vector<16xf32>,
        %add3A_741 = arith.addf %get3A_740, %gather3A_461 : vector<16xf32>
        %swap3A_742 = arith.constant 0 : i32
        %swap3A_743 = arith.index_cast %swap3A_742 : i32 to index
        %swap3A_744 = arith.index_cast %add3A_704 : i32 to index
        %swap3A_745 = arith.constant 48 : index
        %swap3A_746 = tpu.vector_load %arg9[%swap3A_743, %swap3A_744, %swap3A_745] {strides = array<i32>} : memref<2x128x64xf32, #tpu.memory_space<vmem>>, vector<16xf32>,
        tpu.vector_store %arg9[%swap3A_743, %swap3A_744, %swap3A_745], %add3A_741 {strides = array<i32>} : memref<2x128x64xf32, #tpu.memory_space<vmem>>, vector<16xf32>,
        %mul3A_747 = arith.constant 4 : i32
        %mul3A_748 = arith.muli %scan3A_700, %mul3A_747 : i32
        %add3A_749 = arith.constant 1 : i32
        %add3A_750 = arith.addi %mul3A_748, %add3A_749 : i32
        %get3A_751 = arith.constant 0 : i32
        %get3A_752 = arith.index_cast %get3A_751 : i32 to index
        %get3A_753 = arith.index_cast %add3A_750 : i32 to index
        %get3A_754 = arith.constant 0 : index
        %get3A_755 = tpu.vector_load %arg7[%get3A_752, %get3A_753, %get3A_754] {strides = array<i32>} : memref<2x128x128xf32, #tpu.memory_space<vmem>>, vector<16xf32>,
        %add3A_756 = arith.addf %get3A_755, %gather3A_446 : vector<16xf32>
        %swap3A_757 = arith.constant 0 : i32
        %swap3A_758 = arith.index_cast %swap3A_757 : i32 to index
        %swap3A_759 = arith.index_cast %add3A_750 : i32 to index
        %swap3A_760 = arith.constant 0 : index
        %swap3A_761 = tpu.vector_load %arg9[%swap3A_758, %swap3A_759, %swap3A_760] {strides = array<i32>} : memref<2x128x64xf32, #tpu.memory_space<vmem>>, vector<16xf32>,
        tpu.vector_store %arg9[%swap3A_758, %swap3A_759, %swap3A_760], %add3A_756 {strides = array<i32>} : memref<2x128x64xf32, #tpu.memory_space<vmem>>, vector<16xf32>,
        %get3A_762 = arith.constant 0 : i32
        %get3A_763 = arith.index_cast %get3A_762 : i32 to index
        %get3A_764 = arith.index_cast %add3A_750 : i32 to index
        %get3A_765 = arith.constant 16 : index
        %get3A_766 = tpu.vector_load %arg7[%get3A_763, %get3A_764, %get3A_765] {strides = array<i32>} : memref<2x128x128xf32, #tpu.memory_space<vmem>>, vector<16xf32>,
        %add3A_767 = arith.addf %get3A_766, %gather3A_451 : vector<16xf32>
        %swap3A_768 = arith.constant 0 : i32
        %swap3A_769 = arith.index_cast %swap3A_768 : i32 to index
        %swap3A_770 = arith.index_cast %add3A_750 : i32 to index
        %swap3A_771 = arith.constant 16 : index
        %swap3A_772 = tpu.vector_load %arg9[%swap3A_769, %swap3A_770, %swap3A_771] {strides = array<i32>} : memref<2x128x64xf32, #tpu.memory_space<vmem>>, vector<16xf32>,
        tpu.vector_store %arg9[%swap3A_769, %swap3A_770, %swap3A_771], %add3A_767 {strides = array<i32>} : memref<2x128x64xf32, #tpu.memory_space<vmem>>, vector<16xf32>,
        %get3A_773 = arith.constant 0 : i32
        %get3A_774 = arith.index_cast %get3A_773 : i32 to index
        %get3A_775 = arith.index_cast %add3A_750 : i32 to index
        %get3A_776 = arith.constant 32 : index
        %get3A_777 = tpu.vector_load %arg7[%get3A_774, %get3A_775, %get3A_776] {strides = array<i32>} : memref<2x128x128xf32, #tpu.memory_space<vmem>>, vector<16xf32>,
        %add3A_778 = arith.addf %get3A_777, %gather3A_456 : vector<16xf32>
        %swap3A_779 = arith.constant 0 : i32
        %swap3A_780 = arith.index_cast %swap3A_779 : i32 to index
        %swap3A_781 = arith.index_cast %add3A_750 : i32 to index
        %swap3A_782 = arith.constant 32 : index
        %swap3A_783 = tpu.vector_load %arg9[%swap3A_780, %swap3A_781, %swap3A_782] {strides = array<i32>} : memref<2x128x64xf32, #tpu.memory_space<vmem>>, vector<16xf32>,
        tpu.vector_store %arg9[%swap3A_780, %swap3A_781, %swap3A_782], %add3A_778 {strides = array<i32>} : memref<2x128x64xf32, #tpu.memory_space<vmem>>, vector<16xf32>,
        %get3A_784 = arith.constant 0 : i32
        %get3A_785 = arith.index_cast %get3A_784 : i32 to index
        %get3A_786 = arith.index_cast %add3A_750 : i32 to index
        %get3A_787 = arith.constant 48 : index
        %get3A_788 = tpu.vector_load %arg7[%get3A_785, %get3A_786, %get3A_787] {strides = array<i32>} : memref<2x128x128xf32, #tpu.memory_space<vmem>>, vector<16xf32>,
        %add3A_789 = arith.addf %get3A_788, %gather3A_461 : vector<16xf32>
        %swap3A_790 = arith.constant 0 : i32
        %swap3A_791 = arith.index_cast %swap3A_790 : i32 to index
        %swap3A_792 = arith.index_cast %add3A_750 : i32 to index
        %swap3A_793 = arith.constant 48 : index
        %swap3A_794 = tpu.vector_load %arg9[%swap3A_791, %swap3A_792, %swap3A_793] {strides = array<i32>} : memref<2x128x64xf32, #tpu.memory_space<vmem>>, vector<16xf32>,
        tpu.vector_store %arg9[%swap3A_791, %swap3A_792, %swap3A_793], %add3A_789 {strides = array<i32>} : memref<2x128x64xf32, #tpu.memory_space<vmem>>, vector<16xf32>,
        %mul3A_795 = arith.constant 4 : i32
        %mul3A_796 = arith.muli %scan3A_700, %mul3A_795 : i32
        %add3A_797 = arith.constant 2 : i32
        %add3A_798 = arith.addi %mul3A_796, %add3A_797 : i32
        %get3A_799 = arith.constant 0 : i32
        %get3A_800 = arith.index_cast %get3A_799 : i32 to index
        %get3A_801 = arith.index_cast %add3A_798 : i32 to index
        %get3A_802 = arith.constant 0 : index
        %get3A_803 = tpu.vector_load %arg7[%get3A_800, %get3A_801, %get3A_802] {strides = array<i32>} : memref<2x128x128xf32, #tpu.memory_space<vmem>>, vector<16xf32>,
        %add3A_804 = arith.addf %get3A_803, %gather3A_446 : vector<16xf32>
        %swap3A_805 = arith.constant 0 : i32
        %swap3A_806 = arith.index_cast %swap3A_805 : i32 to index
        %swap3A_807 = arith.index_cast %add3A_798 : i32 to index
        %swap3A_808 = arith.constant 0 : index
        %swap3A_809 = tpu.vector_load %arg9[%swap3A_806, %swap3A_807, %swap3A_808] {strides = array<i32>} : memref<2x128x64xf32, #tpu.memory_space<vmem>>, vector<16xf32>,
        tpu.vector_store %arg9[%swap3A_806, %swap3A_807, %swap3A_808], %add3A_804 {strides = array<i32>} : memref<2x128x64xf32, #tpu.memory_space<vmem>>, vector<16xf32>,
        %get3A_810 = arith.constant 0 : i32
        %get3A_811 = arith.index_cast %get3A_810 : i32 to index
        %get3A_812 = arith.index_cast %add3A_798 : i32 to index
        %get3A_813 = arith.constant 16 : index
        %get3A_814 = tpu.vector_load %arg7[%get3A_811, %get3A_812, %get3A_813] {strides = array<i32>} : memref<2x128x128xf32, #tpu.memory_space<vmem>>, vector<16xf32>,
        %add3A_815 = arith.addf %get3A_814, %gather3A_451 : vector<16xf32>
        %swap3A_816 = arith.constant 0 : i32
        %swap3A_817 = arith.index_cast %swap3A_816 : i32 to index
        %swap3A_818 = arith.index_cast %add3A_798 : i32 to index
        %swap3A_819 = arith.constant 16 : index
        %swap3A_820 = tpu.vector_load %arg9[%swap3A_817, %swap3A_818, %swap3A_819] {strides = array<i32>} : memref<2x128x64xf32, #tpu.memory_space<vmem>>, vector<16xf32>,
        tpu.vector_store %arg9[%swap3A_817, %swap3A_818, %swap3A_819], %add3A_815 {strides = array<i32>} : memref<2x128x64xf32, #tpu.memory_space<vmem>>, vector<16xf32>,
        %get3A_821 = arith.constant 0 : i32
        %get3A_822 = arith.index_cast %get3A_821 : i32 to index
        %get3A_823 = arith.index_cast %add3A_798 : i32 to index
        %get3A_824 = arith.constant 32 : index
        %get3A_825 = tpu.vector_load %arg7[%get3A_822, %get3A_823, %get3A_824] {strides = array<i32>} : memref<2x128x128xf32, #tpu.memory_space<vmem>>, vector<16xf32>,
        %add3A_826 = arith.addf %get3A_825, %gather3A_456 : vector<16xf32>
        %swap3A_827 = arith.constant 0 : i32
        %swap3A_828 = arith.index_cast %swap3A_827 : i32 to index
        %swap3A_829 = arith.index_cast %add3A_798 : i32 to index
        %swap3A_830 = arith.constant 32 : index
        %swap3A_831 = tpu.vector_load %arg9[%swap3A_828, %swap3A_829, %swap3A_830] {strides = array<i32>} : memref<2x128x64xf32, #tpu.memory_space<vmem>>, vector<16xf32>,
        tpu.vector_store %arg9[%swap3A_828, %swap3A_829, %swap3A_830], %add3A_826 {strides = array<i32>} : memref<2x128x64xf32, #tpu.memory_space<vmem>>, vector<16xf32>,
        %get3A_832 = arith.constant 0 : i32
        %get3A_833 = arith.index_cast %get3A_832 : i32 to index
        %get3A_834 = arith.index_cast %add3A_798 : i32 to index
        %get3A_835 = arith.constant 48 : index
        %get3A_836 = tpu.vector_load %arg7[%get3A_833, %get3A_834, %get3A_835] {strides = array<i32>} : memref<2x128x128xf32, #tpu.memory_space<vmem>>, vector<16xf32>,
        %add3A_837 = arith.addf %get3A_836, %gather3A_461 : vector<16xf32>
        %swap3A_838 = arith.constant 0 : i32
        %swap3A_839 = arith.index_cast %swap3A_838 : i32 to index
        %swap3A_840 = arith.index_cast %add3A_798 : i32 to index
        %swap3A_841 = arith.constant 48 : index
        %swap3A_842 = tpu.vector_load %arg9[%swap3A_839, %swap3A_840, %swap3A_841] {strides = array<i32>} : memref<2x128x64xf32, #tpu.memory_space<vmem>>, vector<16xf32>,
        tpu.vector_store %arg9[%swap3A_839, %swap3A_840, %swap3A_841], %add3A_837 {strides = array<i32>} : memref<2x128x64xf32, #tpu.memory_space<vmem>>, vector<16xf32>,
        %mul3A_843 = arith.constant 4 : i32
        %mul3A_844 = arith.muli %scan3A_700, %mul3A_843 : i32
        %add3A_845 = arith.constant 3 : i32
        %add3A_846 = arith.addi %mul3A_844, %add3A_845 : i32
        %get3A_847 = arith.constant 0 : i32
        %get3A_848 = arith.index_cast %get3A_847 : i32 to index
        %get3A_849 = arith.index_cast %add3A_846 : i32 to index
        %get3A_850 = arith.constant 0 : index
        %get3A_851 = tpu.vector_load %arg7[%get3A_848, %get3A_849, %get3A_850] {strides = array<i32>} : memref<2x128x128xf32, #tpu.memory_space<vmem>>, vector<16xf32>,
        %add3A_852 = arith.addf %get3A_851, %gather3A_446 : vector<16xf32>
        %swap3A_853 = arith.constant 0 : i32
        %swap3A_854 = arith.index_cast %swap3A_853 : i32 to index
        %swap3A_855 = arith.index_cast %add3A_846 : i32 to index
        %swap3A_856 = arith.constant 0 : index
        %swap3A_857 = tpu.vector_load %arg9[%swap3A_854, %swap3A_855, %swap3A_856] {strides = array<i32>} : memref<2x128x64xf32, #tpu.memory_space<vmem>>, vector<16xf32>,
        tpu.vector_store %arg9[%swap3A_854, %swap3A_855, %swap3A_856], %add3A_852 {strides = array<i32>} : memref<2x128x64xf32, #tpu.memory_space<vmem>>, vector<16xf32>,
        %get3A_858 = arith.constant 0 : i32
        %get3A_859 = arith.index_cast %get3A_858 : i32 to index
        %get3A_860 = arith.index_cast %add3A_846 : i32 to index
        %get3A_861 = arith.constant 16 : index
        %get3A_862 = tpu.vector_load %arg7[%get3A_859, %get3A_860, %get3A_861] {strides = array<i32>} : memref<2x128x128xf32, #tpu.memory_space<vmem>>, vector<16xf32>,
        %add3A_863 = arith.addf %get3A_862, %gather3A_451 : vector<16xf32>
        %swap3A_864 = arith.constant 0 : i32
        %swap3A_865 = arith.index_cast %swap3A_864 : i32 to index
        %swap3A_866 = arith.index_cast %add3A_846 : i32 to index
        %swap3A_867 = arith.constant 16 : index
        %swap3A_868 = tpu.vector_load %arg9[%swap3A_865, %swap3A_866, %swap3A_867] {strides = array<i32>} : memref<2x128x64xf32, #tpu.memory_space<vmem>>, vector<16xf32>,
        tpu.vector_store %arg9[%swap3A_865, %swap3A_866, %swap3A_867], %add3A_863 {strides = array<i32>} : memref<2x128x64xf32, #tpu.memory_space<vmem>>, vector<16xf32>,
        %get3A_869 = arith.constant 0 : i32
        %get3A_870 = arith.index_cast %get3A_869 : i32 to index
        %get3A_871 = arith.index_cast %add3A_846 : i32 to index
        %get3A_872 = arith.constant 32 : index
        %get3A_873 = tpu.vector_load %arg7[%get3A_870, %get3A_871, %get3A_872] {strides = array<i32>} : memref<2x128x128xf32, #tpu.memory_space<vmem>>, vector<16xf32>,
        %add3A_874 = arith.addf %get3A_873, %gather3A_456 : vector<16xf32>
        %swap3A_875 = arith.constant 0 : i32
        %swap3A_876 = arith.index_cast %swap3A_875 : i32 to index
        %swap3A_877 = arith.index_cast %add3A_846 : i32 to index
        %swap3A_878 = arith.constant 32 : index
        %swap3A_879 = tpu.vector_load %arg9[%swap3A_876, %swap3A_877, %swap3A_878] {strides = array<i32>} : memref<2x128x64xf32, #tpu.memory_space<vmem>>, vector<16xf32>,
        tpu.vector_store %arg9[%swap3A_876, %swap3A_877, %swap3A_878], %add3A_874 {strides = array<i32>} : memref<2x128x64xf32, #tpu.memory_space<vmem>>, vector<16xf32>,
        %get3A_880 = arith.constant 0 : i32
        %get3A_881 = arith.index_cast %get3A_880 : i32 to index
        %get3A_882 = arith.index_cast %add3A_846 : i32 to index
        %get3A_883 = arith.constant 48 : index
        %get3A_884 = tpu.vector_load %arg7[%get3A_881, %get3A_882, %get3A_883] {strides = array<i32>} : memref<2x128x128xf32, #tpu.memory_space<vmem>>, vector<16xf32>,
        %add3A_885 = arith.addf %get3A_884, %gather3A_461 : vector<16xf32>
        %swap3A_886 = arith.constant 0 : i32
        %swap3A_887 = arith.index_cast %swap3A_886 : i32 to index
        %swap3A_888 = arith.index_cast %add3A_846 : i32 to index
        %swap3A_889 = arith.constant 48 : index
        %swap3A_890 = tpu.vector_load %arg9[%swap3A_887, %swap3A_888, %swap3A_889] {strides = array<i32>} : memref<2x128x64xf32, #tpu.memory_space<vmem>>, vector<16xf32>,
        tpu.vector_store %arg9[%swap3A_887, %swap3A_888, %swap3A_889], %add3A_885 {strides = array<i32>} : memref<2x128x64xf32, #tpu.memory_space<vmem>>, vector<16xf32>,
      }
      %scan3A_467 = arith.constant 32 : i32
      %add3A_468 = arith.addi %mul3A_2, %add3A_375 : i32
      %jit3A_469 = arith.constant 8 : i32
      %div3A_470 = arith.divsi %add3A_468, %jit3A_469 : i32
      %sign3A_471 = arith.constant 0 : i32
      %sign3A_472 = arith.cmpi sgt, %add3A_468, %sign3A_471 : i32
      %sign3A_473 = arith.extui %sign3A_472 : i1 to i32
      %sign3A_474 = arith.constant 0 : i32
      %sign3A_475 = arith.cmpi slt, %add3A_468, %sign3A_474 : i32
      %sign3A_476 = arith.extui %sign3A_475 : i1 to i32
      %sign3A_477 = arith.subi %sign3A_473, %sign3A_476 : i32
      %sign3A_478 = arith.constant 0 : i32
      %sign3A_479 = arith.cmpi sgt, %jit3A_469, %sign3A_478 : i32
      %sign3A_480 = arith.extui %sign3A_479 : i1 to i32
      %sign3A_481 = arith.constant 0 : i32
      %sign3A_482 = arith.cmpi slt, %jit3A_469, %sign3A_481 : i32
      %sign3A_483 = arith.extui %sign3A_482 : i1 to i32
      %sign3A_484 = arith.subi %sign3A_480, %sign3A_483 : i32
      %ne3A_485 = arith.cmpi ne, %sign3A_477, %sign3A_484 : i32
      %rem3A_486 = arith.remsi %add3A_468, %jit3A_469 : i32
      %ne3A_487 = arith.constant 0 : i32
      %ne3A_488 = arith.cmpi ne, %rem3A_486, %ne3A_487 : i32
      %and3A_489 = arith.andi %ne3A_485, %ne3A_488 : i1
      %sub3A_490 = arith.constant 1 : i32
      %sub3A_491 = arith.subi %div3A_470, %sub3A_490 : i32
      %select_n3A_492 = arith.select %and3A_489, %sub3A_491, %div3A_470 : i32
      %jit3A_493 = arith.constant 8 : i32
      %eq3A_494 = arith.constant 0 : i32
      %eq3A_495 = arith.cmpi eq, %jit3A_493, %eq3A_494 : i32
      %jit3A_496 = arith.constant 1 : i32
      %select_n3A_497 = arith.select %eq3A_495, %jit3A_496, %jit3A_493 : i32
      %rem3A_498 = arith.remsi %add3A_468, %select_n3A_497 : i32
      %ne3A_499 = arith.constant 0 : i32
      %ne3A_500 = arith.cmpi ne, %rem3A_498, %ne3A_499 : i32
      %lt3A_501 = arith.constant 0 : i32
      %lt3A_502 = arith.cmpi slt, %rem3A_498, %lt3A_501 : i32
      %lt3A_503 = arith.constant 0 : i32
      %lt3A_504 = arith.cmpi slt, %select_n3A_497, %lt3A_503 : i32
      %ne3A_505 = arith.xori %lt3A_502, %lt3A_504 : i1
      %and3A_506 = arith.andi %ne3A_505, %ne3A_500 : i1
      %add3A_507 = arith.addi %rem3A_498, %select_n3A_497 : i32
      %select_n3A_508 = arith.select %and3A_506, %add3A_507, %rem3A_498 : i32
      %mul3A_509 = arith.constant 128 : i32
      %mul3A_510 = arith.muli %select_n3A_508, %mul3A_509 : i32
      %dma_start3A_511 = arith.constant 0 : i32
      %dma_start3A_512 = arith.constant 0 : i32
      %dma_start3A_513 = arith.constant 0 : i32
      %dma_start3A_514 = tpu.memref_slice %arg9[%dma_start3A_511, %dma_start3A_512, %dma_start3A_513] : memref<2x128x64xf32, #tpu.memory_space<vmem>> -> memref<1x128x64xf32, #tpu.memory_space<vmem>>
      %dma_start3A_515 = tpu.memref_squeeze %dma_start3A_514 : memref<1x128x64xf32, #tpu.memory_space<vmem>> -> memref<128x64xf32, #tpu.memory_space<vmem>>
      %dma_start3A_516 = arith.constant 0 : i32
      %dma_start3A_517 = tpu.memref_slice %arg5[%select_n3A_492, %mul3A_510, %dma_start3A_516] : memref<200x1024x64xf32, #tpu.memory_space<hbm>> -> memref<1x128x64xf32, #tpu.memory_space<hbm>>
      %dma_start3A_518 = tpu.memref_squeeze %dma_start3A_517 : memref<1x128x64xf32, #tpu.memory_space<hbm>> -> memref<128x64xf32, #tpu.memory_space<hbm>>
      %dma_start3A_519 = arith.constant 0 : i32
      %dma_start3A_520 = tpu.memref_slice %arg5[%select_n3A_492, %mul3A_510, %dma_start3A_519] : memref<200x1024x64xf32, #tpu.memory_space<hbm>> -> memref<1x128x64xf32, #tpu.memory_space<hbm>>
      %dma_start3A_521 = tpu.memref_squeeze %dma_start3A_520 : memref<1x128x64xf32, #tpu.memory_space<hbm>> -> memref<128x64xf32, #tpu.memory_space<hbm>>
      %dma_start3A_522 = arith.constant 0 : i32
      %dma_start3A_523 = arith.constant 0 : i32
      %dma_start3A_524 = tpu.memref_slice %arg9[%dma_start3A_511, %dma_start3A_522, %dma_start3A_523] : memref<2x128x64xf32, #tpu.memory_space<vmem>> -> memref<1x128x64xf32, #tpu.memory_space<vmem>>
      %dma_start3A_525 = tpu.memref_squeeze %dma_start3A_524 : memref<1x128x64xf32, #tpu.memory_space<vmem>> -> memref<128x64xf32, #tpu.memory_space<vmem>>
      tpu.enqueue_dma source(%dma_start3A_525 : memref<128x64xf32, #tpu.memory_space<vmem>>) target(%dma_start3A_521 : memref<128x64xf32, #tpu.memory_space<hbm>>) target_semaphore(%arg12 : memref<!tpu.dma_semaphore, #tpu.memory_space<semaphore_mem>>)
      %add3A_526 = arith.constant 2 : i32
      %add3A_527 = arith.addi %add3A_375, %add3A_526 : i32
      %lt3A_528 = arith.constant 50 : i32
      %lt3A_529 = arith.cmpi slt, %add3A_527, %lt3A_528 : i32
      %convert_element_type3A_530 = arith.extui %lt3A_529 : i1 to i32
      %cond3A_531 = arith.constant 0 : i32
      %cond3A_532 = arith.cmpi ne, %convert_element_type3A_530, %cond3A_531 : i32
      scf.if %cond3A_532 {
        %add3A_700 = arith.constant 2 : i32
        %add3A_701 = arith.addi %add3A_375, %add3A_700 : i32
        %add3A_702 = arith.addi %mul3A_2, %add3A_701 : i32
        %jit3A_703 = arith.constant 8 : i32
        %div3A_704 = arith.divsi %add3A_702, %jit3A_703 : i32
        %sign3A_705 = arith.constant 0 : i32
        %sign3A_706 = arith.cmpi sgt, %add3A_702, %sign3A_705 : i32
        %sign3A_707 = arith.extui %sign3A_706 : i1 to i32
        %sign3A_708 = arith.constant 0 : i32
        %sign3A_709 = arith.cmpi slt, %add3A_702, %sign3A_708 : i32
        %sign3A_710 = arith.extui %sign3A_709 : i1 to i32
        %sign3A_711 = arith.subi %sign3A_707, %sign3A_710 : i32
        %sign3A_712 = arith.constant 0 : i32
        %sign3A_713 = arith.cmpi sgt, %jit3A_703, %sign3A_712 : i32
        %sign3A_714 = arith.extui %sign3A_713 : i1 to i32
        %sign3A_715 = arith.constant 0 : i32
        %sign3A_716 = arith.cmpi slt, %jit3A_703, %sign3A_715 : i32
        %sign3A_717 = arith.extui %sign3A_716 : i1 to i32
        %sign3A_718 = arith.subi %sign3A_714, %sign3A_717 : i32
        %ne3A_719 = arith.cmpi ne, %sign3A_711, %sign3A_718 : i32
        %rem3A_720 = arith.remsi %add3A_702, %jit3A_703 : i32
        %ne3A_721 = arith.constant 0 : i32
        %ne3A_722 = arith.cmpi ne, %rem3A_720, %ne3A_721 : i32
        %and3A_723 = arith.andi %ne3A_719, %ne3A_722 : i1
        %sub3A_724 = arith.constant 1 : i32
        %sub3A_725 = arith.subi %div3A_704, %sub3A_724 : i32
        %select_n3A_726 = arith.select %and3A_723, %sub3A_725, %div3A_704 : i32
        %jit3A_727 = arith.constant 8 : i32
        %eq3A_728 = arith.constant 0 : i32
        %eq3A_729 = arith.cmpi eq, %jit3A_727, %eq3A_728 : i32
        %jit3A_730 = arith.constant 1 : i32
        %select_n3A_731 = arith.select %eq3A_729, %jit3A_730, %jit3A_727 : i32
        %rem3A_732 = arith.remsi %add3A_702, %select_n3A_731 : i32
        %ne3A_733 = arith.constant 0 : i32
        %ne3A_734 = arith.cmpi ne, %rem3A_732, %ne3A_733 : i32
        %lt3A_735 = arith.constant 0 : i32
        %lt3A_736 = arith.cmpi slt, %rem3A_732, %lt3A_735 : i32
        %lt3A_737 = arith.constant 0 : i32
        %lt3A_738 = arith.cmpi slt, %select_n3A_731, %lt3A_737 : i32
        %ne3A_739 = arith.xori %lt3A_736, %lt3A_738 : i1
        %and3A_740 = arith.andi %ne3A_739, %ne3A_734 : i1
        %add3A_741 = arith.addi %rem3A_732, %select_n3A_731 : i32
        %select_n3A_742 = arith.select %and3A_740, %add3A_741, %rem3A_732 : i32
        %mul3A_743 = arith.constant 128 : i32
        %mul3A_744 = arith.muli %select_n3A_742, %mul3A_743 : i32
        %dma_wait3A_745 = arith.constant 0 : i32
        %dma_wait3A_746 = arith.constant 0 : i32
        %dma_wait3A_747 = tpu.memref_slice %arg6[%dma_wait3A_745, %dma_wait3A_746] : memref<2x128xi32, #tpu.memory_space<vmem>> -> memref<1x128xi32, #tpu.memory_space<vmem>>
        %dma_wait3A_748 = tpu.memref_squeeze %dma_wait3A_747 : memref<1x128xi32, #tpu.memory_space<vmem>> -> memref<128xi32, #tpu.memory_space<vmem>>
        %dma_wait3A_749 = tpu.memref_slice %arg2[%select_n3A_726, %mul3A_744] : memref<200x1024xi32, #tpu.memory_space<hbm>> -> memref<1x128xi32, #tpu.memory_space<hbm>>
        %dma_wait3A_750 = tpu.memref_squeeze %dma_wait3A_749 : memref<1x128xi32, #tpu.memory_space<hbm>> -> memref<128xi32, #tpu.memory_space<hbm>>
        %dma_wait3A_751 = arith.constant 0 : i32
        %dma_wait3A_752 = tpu.memref_slice %arg6[%dma_wait3A_745, %dma_wait3A_751] : memref<2x128xi32, #tpu.memory_space<vmem>> -> memref<1x128xi32, #tpu.memory_space<vmem>>
        %dma_wait3A_753 = tpu.memref_squeeze %dma_wait3A_752 : memref<1x128xi32, #tpu.memory_space<vmem>> -> memref<128xi32, #tpu.memory_space<vmem>>
        %dma_wait3A_754 = tpu.memref_slice %arg2[%select_n3A_726, %mul3A_744] : memref<200x1024xi32, #tpu.memory_space<hbm>> -> memref<1x128xi32, #tpu.memory_space<hbm>>
        %dma_wait3A_755 = tpu.memref_squeeze %dma_wait3A_754 : memref<1x128xi32, #tpu.memory_space<hbm>> -> memref<128xi32, #tpu.memory_space<hbm>>
        tpu.wait_dma2 semaphore(%arg14 : memref<!tpu.dma_semaphore, #tpu.memory_space<semaphore_mem>>) src(%dma_wait3A_755 : memref<128xi32, #tpu.memory_space<hbm>>) dst(%dma_wait3A_753 : memref<128xi32, #tpu.memory_space<vmem>>)
        %add3A_756 = arith.constant 2 : i32
        %add3A_757 = arith.addi %add3A_375, %add3A_756 : i32
        %dma_start3A_758 = arith.constant 0 : i32
        %dma_start3A_759 = arith.constant 0 : i32
        %dma_start3A_760 = arith.constant 0 : i32
        %dma_start3A_761 = arith.constant 0 : i32
        %dma_start3A_762 = tpu.memref_slice %arg7[%dma_start3A_759, %dma_start3A_760, %dma_start3A_761] : memref<2x128x128xf32, #tpu.memory_space<vmem>> -> memref<1x128x128xf32, #tpu.memory_space<vmem>>
        %dma_start3A_763 = tpu.memref_squeeze %dma_start3A_762 : memref<1x128x128xf32, #tpu.memory_space<vmem>> -> memref<128x128xf32, #tpu.memory_space<vmem>>
        %dma_start3A_764 = arith.constant 0 : i32
        %dma_start3A_765 = tpu.memref_slice %arg6[%dma_start3A_758, %dma_start3A_764] : memref<2x128xi32, #tpu.memory_space<vmem>> -> memref<1x128xi32, #tpu.memory_space<vmem>>
        %dma_start3A_766 = tpu.memref_squeeze %dma_start3A_765 : memref<1x128xi32, #tpu.memory_space<vmem>> -> memref<128xi32, #tpu.memory_space<vmem>>
        %dma_start3A_767 = arith.constant 0 : i32
        %dma_start3A_768 = arith.constant 0 : i32
        %dma_start3A_769 = tpu.memref_slice %arg3[%dma_start3A_767, %dma_start3A_768] : memref<1000000x128xf32, #tpu.memory_space<hbm>> -> memref<1000000x128xf32, #tpu.memory_space<hbm>>
        tpu.enqueue_indirect_dma source(%dma_start3A_769 : memref<1000000x128xf32, #tpu.memory_space<hbm>>) target(%dma_start3A_763 : memref<128x128xf32, #tpu.memory_space<vmem>>) offsets(%dma_start3A_766 : memref<128xi32, #tpu.memory_space<vmem>>) semaphore(%arg10 : memref<!tpu.dma_semaphore, #tpu.memory_space<semaphore_mem>>)
      } else {
      }
      %mul3A_533 = arith.constant 2 : i32
      %mul3A_534 = arith.muli %mul3A_533, %scan3A_371 : i32
      %add3A_535 = arith.constant 1 : i32
      %add3A_536 = arith.addi %mul3A_534, %add3A_535 : i32
      %add3A_537 = arith.addi %mul3A_2, %add3A_536 : i32
      %jit3A_538 = arith.constant 8 : i32
      %div3A_539 = arith.divsi %add3A_537, %jit3A_538 : i32
      %sign3A_540 = arith.constant 0 : i32
      %sign3A_541 = arith.cmpi sgt, %add3A_537, %sign3A_540 : i32
      %sign3A_542 = arith.extui %sign3A_541 : i1 to i32
      %sign3A_543 = arith.constant 0 : i32
      %sign3A_544 = arith.cmpi slt, %add3A_537, %sign3A_543 : i32
      %sign3A_545 = arith.extui %sign3A_544 : i1 to i32
      %sign3A_546 = arith.subi %sign3A_542, %sign3A_545 : i32
      %sign3A_547 = arith.constant 0 : i32
      %sign3A_548 = arith.cmpi sgt, %jit3A_538, %sign3A_547 : i32
      %sign3A_549 = arith.extui %sign3A_548 : i1 to i32
      %sign3A_550 = arith.constant 0 : i32
      %sign3A_551 = arith.cmpi slt, %jit3A_538, %sign3A_550 : i32
      %sign3A_552 = arith.extui %sign3A_551 : i1 to i32
      %sign3A_553 = arith.subi %sign3A_549, %sign3A_552 : i32
      %ne3A_554 = arith.cmpi ne, %sign3A_546, %sign3A_553 : i32
      %rem3A_555 = arith.remsi %add3A_537, %jit3A_538 : i32
      %ne3A_556 = arith.constant 0 : i32
      %ne3A_557 = arith.cmpi ne, %rem3A_555, %ne3A_556 : i32
      %and3A_558 = arith.andi %ne3A_554, %ne3A_557 : i1
      %sub3A_559 = arith.constant 1 : i32
      %sub3A_560 = arith.subi %div3A_539, %sub3A_559 : i32
      %select_n3A_561 = arith.select %and3A_558, %sub3A_560, %div3A_539 : i32
      %jit3A_562 = arith.constant 8 : i32
      %eq3A_563 = arith.constant 0 : i32
      %eq3A_564 = arith.cmpi eq, %jit3A_562, %eq3A_563 : i32
      %jit3A_565 = arith.constant 1 : i32
      %select_n3A_566 = arith.select %eq3A_564, %jit3A_565, %jit3A_562 : i32
      %rem3A_567 = arith.remsi %add3A_537, %select_n3A_566 : i32
      %ne3A_568 = arith.constant 0 : i32
      %ne3A_569 = arith.cmpi ne, %rem3A_567, %ne3A_568 : i32
      %lt3A_570 = arith.constant 0 : i32
      %lt3A_571 = arith.cmpi slt, %rem3A_567, %lt3A_570 : i32
      %lt3A_572 = arith.constant 0 : i32
      %lt3A_573 = arith.cmpi slt, %select_n3A_566, %lt3A_572 : i32
      %ne3A_574 = arith.xori %lt3A_571, %lt3A_573 : i1
      %and3A_575 = arith.andi %ne3A_574, %ne3A_569 : i1
      %add3A_576 = arith.addi %rem3A_567, %select_n3A_566 : i32
      %select_n3A_577 = arith.select %and3A_575, %add3A_576, %rem3A_567 : i32
      %mul3A_578 = arith.constant 128 : i32
      %mul3A_579 = arith.muli %select_n3A_577, %mul3A_578 : i32
      %dma_wait3A_580 = arith.constant 1 : i32
      %dma_wait3A_581 = arith.constant 1 : i32
      %dma_wait3A_582 = arith.constant 0 : i32
      %dma_wait3A_583 = arith.constant 0 : i32
      %dma_wait3A_584 = tpu.memref_slice %arg7[%dma_wait3A_581, %dma_wait3A_582, %dma_wait3A_583] : memref<2x128x128xf32, #tpu.memory_space<vmem>> -> memref<1x128x128xf32, #tpu.memory_space<vmem>>
      %dma_wait3A_585 = tpu.memref_squeeze %dma_wait3A_584 : memref<1x128x128xf32, #tpu.memory_space<vmem>> -> memref<128x128xf32, #tpu.memory_space<vmem>>
      %dma_wait3A_586 = arith.constant 0 : i32
      %dma_wait3A_587 = tpu.memref_slice %arg6[%dma_wait3A_580, %dma_wait3A_586] : memref<2x128xi32, #tpu.memory_space<vmem>> -> memref<1x128xi32, #tpu.memory_space<vmem>>
      %dma_wait3A_588 = tpu.memref_squeeze %dma_wait3A_587 : memref<1x128xi32, #tpu.memory_space<vmem>> -> memref<128xi32, #tpu.memory_space<vmem>>
      %dma_wait3A_589 = arith.constant 0 : i32
      %dma_wait3A_590 = arith.constant 0 : i32
      %dma_wait3A_591 = tpu.memref_slice %arg3[%dma_wait3A_589, %dma_wait3A_590] : memref<1000000x128xf32, #tpu.memory_space<hbm>> -> memref<1000000x128xf32, #tpu.memory_space<hbm>>
      tpu.wait_indirect_dma semaphore(%arg11 : memref<!tpu.dma_semaphore, #tpu.memory_space<semaphore_mem>>) src(%dma_wait3A_591 : memref<1000000x128xf32, #tpu.memory_space<hbm>>) dst(%dma_wait3A_585 : memref<128x128xf32, #tpu.memory_space<vmem>>)
      %add3A_592 = arith.constant 2 : i32
      %add3A_593 = arith.addi %add3A_536, %add3A_592 : i32
      %lt3A_594 = arith.constant 50 : i32
      %lt3A_595 = arith.cmpi slt, %add3A_593, %lt3A_594 : i32
      %convert_element_type3A_596 = arith.extui %lt3A_595 : i1 to i32
      %cond3A_597 = arith.constant 0 : i32
      %cond3A_598 = arith.cmpi ne, %convert_element_type3A_596, %cond3A_597 : i32
      scf.if %cond3A_598 {
        %add3A_700 = arith.constant 2 : i32
        %add3A_701 = arith.addi %add3A_536, %add3A_700 : i32
        %add3A_702 = arith.addi %mul3A_2, %add3A_701 : i32
        %jit3A_703 = arith.constant 8 : i32
        %div3A_704 = arith.divsi %add3A_702, %jit3A_703 : i32
        %sign3A_705 = arith.constant 0 : i32
        %sign3A_706 = arith.cmpi sgt, %add3A_702, %sign3A_705 : i32
        %sign3A_707 = arith.extui %sign3A_706 : i1 to i32
        %sign3A_708 = arith.constant 0 : i32
        %sign3A_709 = arith.cmpi slt, %add3A_702, %sign3A_708 : i32
        %sign3A_710 = arith.extui %sign3A_709 : i1 to i32
        %sign3A_711 = arith.subi %sign3A_707, %sign3A_710 : i32
        %sign3A_712 = arith.constant 0 : i32
        %sign3A_713 = arith.cmpi sgt, %jit3A_703, %sign3A_712 : i32
        %sign3A_714 = arith.extui %sign3A_713 : i1 to i32
        %sign3A_715 = arith.constant 0 : i32
        %sign3A_716 = arith.cmpi slt, %jit3A_703, %sign3A_715 : i32
        %sign3A_717 = arith.extui %sign3A_716 : i1 to i32
        %sign3A_718 = arith.subi %sign3A_714, %sign3A_717 : i32
        %ne3A_719 = arith.cmpi ne, %sign3A_711, %sign3A_718 : i32
        %rem3A_720 = arith.remsi %add3A_702, %jit3A_703 : i32
        %ne3A_721 = arith.constant 0 : i32
        %ne3A_722 = arith.cmpi ne, %rem3A_720, %ne3A_721 : i32
        %and3A_723 = arith.andi %ne3A_719, %ne3A_722 : i1
        %sub3A_724 = arith.constant 1 : i32
        %sub3A_725 = arith.subi %div3A_704, %sub3A_724 : i32
        %select_n3A_726 = arith.select %and3A_723, %sub3A_725, %div3A_704 : i32
        %jit3A_727 = arith.constant 8 : i32
        %eq3A_728 = arith.constant 0 : i32
        %eq3A_729 = arith.cmpi eq, %jit3A_727, %eq3A_728 : i32
        %jit3A_730 = arith.constant 1 : i32
        %select_n3A_731 = arith.select %eq3A_729, %jit3A_730, %jit3A_727 : i32
        %rem3A_732 = arith.remsi %add3A_702, %select_n3A_731 : i32
        %ne3A_733 = arith.constant 0 : i32
        %ne3A_734 = arith.cmpi ne, %rem3A_732, %ne3A_733 : i32
        %lt3A_735 = arith.constant 0 : i32
        %lt3A_736 = arith.cmpi slt, %rem3A_732, %lt3A_735 : i32
        %lt3A_737 = arith.constant 0 : i32
        %lt3A_738 = arith.cmpi slt, %select_n3A_731, %lt3A_737 : i32
        %ne3A_739 = arith.xori %lt3A_736, %lt3A_738 : i1
        %and3A_740 = arith.andi %ne3A_739, %ne3A_734 : i1
        %add3A_741 = arith.addi %rem3A_732, %select_n3A_731 : i32
        %select_n3A_742 = arith.select %and3A_740, %add3A_741, %rem3A_732 : i32
        %mul3A_743 = arith.constant 128 : i32
        %mul3A_744 = arith.muli %select_n3A_742, %mul3A_743 : i32
        %dma_start3A_745 = arith.constant 1 : i32
        %dma_start3A_746 = arith.constant 0 : i32
        %dma_start3A_747 = tpu.memref_slice %arg6[%dma_start3A_745, %dma_start3A_746] : memref<2x128xi32, #tpu.memory_space<vmem>> -> memref<1x128xi32, #tpu.memory_space<vmem>>
        %dma_start3A_748 = tpu.memref_squeeze %dma_start3A_747 : memref<1x128xi32, #tpu.memory_space<vmem>> -> memref<128xi32, #tpu.memory_space<vmem>>
        %dma_start3A_749 = tpu.memref_slice %arg2[%select_n3A_726, %mul3A_744] : memref<200x1024xi32, #tpu.memory_space<hbm>> -> memref<1x128xi32, #tpu.memory_space<hbm>>
        %dma_start3A_750 = tpu.memref_squeeze %dma_start3A_749 : memref<1x128xi32, #tpu.memory_space<hbm>> -> memref<128xi32, #tpu.memory_space<hbm>>
        %dma_start3A_751 = arith.constant 0 : i32
        %dma_start3A_752 = tpu.memref_slice %arg6[%dma_start3A_745, %dma_start3A_751] : memref<2x128xi32, #tpu.memory_space<vmem>> -> memref<1x128xi32, #tpu.memory_space<vmem>>
        %dma_start3A_753 = tpu.memref_squeeze %dma_start3A_752 : memref<1x128xi32, #tpu.memory_space<vmem>> -> memref<128xi32, #tpu.memory_space<vmem>>
        %dma_start3A_754 = tpu.memref_slice %arg2[%select_n3A_726, %mul3A_744] : memref<200x1024xi32, #tpu.memory_space<hbm>> -> memref<1x128xi32, #tpu.memory_space<hbm>>
        %dma_start3A_755 = tpu.memref_squeeze %dma_start3A_754 : memref<1x128xi32, #tpu.memory_space<hbm>> -> memref<128xi32, #tpu.memory_space<hbm>>
        tpu.enqueue_dma source(%dma_start3A_755 : memref<128xi32, #tpu.memory_space<hbm>>) target(%dma_start3A_753 : memref<128xi32, #tpu.memory_space<vmem>>) target_semaphore(%arg15 : memref<!tpu.dma_semaphore, #tpu.memory_space<semaphore_mem>>)
      } else {
      }
      %ge3A_599 = arith.constant 2 : i32
      %ge3A_600 = arith.cmpi sge, %add3A_536, %ge3A_599 : i32
      %convert_element_type3A_601 = arith.extui %ge3A_600 : i1 to i32
      %cond3A_602 = arith.constant 0 : i32
      %cond3A_603 = arith.cmpi ne, %convert_element_type3A_601, %cond3A_602 : i32
      scf.if %cond3A_603 {
        %sub3A_700 = arith.constant 2 : i32
        %sub3A_701 = arith.subi %add3A_536, %sub3A_700 : i32
        %add3A_702 = arith.addi %mul3A_2, %sub3A_701 : i32
        %jit3A_703 = arith.constant 8 : i32
        %div3A_704 = arith.divsi %add3A_702, %jit3A_703 : i32
        %sign3A_705 = arith.constant 0 : i32
        %sign3A_706 = arith.cmpi sgt, %add3A_702, %sign3A_705 : i32
        %sign3A_707 = arith.extui %sign3A_706 : i1 to i32
        %sign3A_708 = arith.constant 0 : i32
        %sign3A_709 = arith.cmpi slt, %add3A_702, %sign3A_708 : i32
        %sign3A_710 = arith.extui %sign3A_709 : i1 to i32
        %sign3A_711 = arith.subi %sign3A_707, %sign3A_710 : i32
        %sign3A_712 = arith.constant 0 : i32
        %sign3A_713 = arith.cmpi sgt, %jit3A_703, %sign3A_712 : i32
        %sign3A_714 = arith.extui %sign3A_713 : i1 to i32
        %sign3A_715 = arith.constant 0 : i32
        %sign3A_716 = arith.cmpi slt, %jit3A_703, %sign3A_715 : i32
        %sign3A_717 = arith.extui %sign3A_716 : i1 to i32
        %sign3A_718 = arith.subi %sign3A_714, %sign3A_717 : i32
        %ne3A_719 = arith.cmpi ne, %sign3A_711, %sign3A_718 : i32
        %rem3A_720 = arith.remsi %add3A_702, %jit3A_703 : i32
        %ne3A_721 = arith.constant 0 : i32
        %ne3A_722 = arith.cmpi ne, %rem3A_720, %ne3A_721 : i32
        %and3A_723 = arith.andi %ne3A_719, %ne3A_722 : i1
        %sub3A_724 = arith.constant 1 : i32
        %sub3A_725 = arith.subi %div3A_704, %sub3A_724 : i32
        %select_n3A_726 = arith.select %and3A_723, %sub3A_725, %div3A_704 : i32
        %jit3A_727 = arith.constant 8 : i32
        %eq3A_728 = arith.constant 0 : i32
        %eq3A_729 = arith.cmpi eq, %jit3A_727, %eq3A_728 : i32
        %jit3A_730 = arith.constant 1 : i32
        %select_n3A_731 = arith.select %eq3A_729, %jit3A_730, %jit3A_727 : i32
        %rem3A_732 = arith.remsi %add3A_702, %select_n3A_731 : i32
        %ne3A_733 = arith.constant 0 : i32
        %ne3A_734 = arith.cmpi ne, %rem3A_732, %ne3A_733 : i32
        %lt3A_735 = arith.constant 0 : i32
        %lt3A_736 = arith.cmpi slt, %rem3A_732, %lt3A_735 : i32
        %lt3A_737 = arith.constant 0 : i32
        %lt3A_738 = arith.cmpi slt, %select_n3A_731, %lt3A_737 : i32
        %ne3A_739 = arith.xori %lt3A_736, %lt3A_738 : i1
        %and3A_740 = arith.andi %ne3A_739, %ne3A_734 : i1
        %add3A_741 = arith.addi %rem3A_732, %select_n3A_731 : i32
        %select_n3A_742 = arith.select %and3A_740, %add3A_741, %rem3A_732 : i32
        %mul3A_743 = arith.constant 128 : i32
        %mul3A_744 = arith.muli %select_n3A_742, %mul3A_743 : i32
        %dma_wait3A_745 = arith.constant 1 : i32
        %dma_wait3A_746 = arith.constant 0 : i32
        %dma_wait3A_747 = arith.constant 0 : i32
        %dma_wait3A_748 = tpu.memref_slice %arg9[%dma_wait3A_745, %dma_wait3A_746, %dma_wait3A_747] : memref<2x128x64xf32, #tpu.memory_space<vmem>> -> memref<1x128x64xf32, #tpu.memory_space<vmem>>
        %dma_wait3A_749 = tpu.memref_squeeze %dma_wait3A_748 : memref<1x128x64xf32, #tpu.memory_space<vmem>> -> memref<128x64xf32, #tpu.memory_space<vmem>>
        %dma_wait3A_750 = arith.constant 0 : i32
        %dma_wait3A_751 = tpu.memref_slice %arg5[%select_n3A_726, %mul3A_744, %dma_wait3A_750] : memref<200x1024x64xf32, #tpu.memory_space<hbm>> -> memref<1x128x64xf32, #tpu.memory_space<hbm>>
        %dma_wait3A_752 = tpu.memref_squeeze %dma_wait3A_751 : memref<1x128x64xf32, #tpu.memory_space<hbm>> -> memref<128x64xf32, #tpu.memory_space<hbm>>
        %dma_wait3A_753 = arith.constant 0 : i32
        %dma_wait3A_754 = tpu.memref_slice %arg5[%select_n3A_726, %mul3A_744, %dma_wait3A_753] : memref<200x1024x64xf32, #tpu.memory_space<hbm>> -> memref<1x128x64xf32, #tpu.memory_space<hbm>>
        %dma_wait3A_755 = tpu.memref_squeeze %dma_wait3A_754 : memref<1x128x64xf32, #tpu.memory_space<hbm>> -> memref<128x64xf32, #tpu.memory_space<hbm>>
        %dma_wait3A_756 = arith.constant 0 : i32
        %dma_wait3A_757 = arith.constant 0 : i32
        %dma_wait3A_758 = tpu.memref_slice %arg9[%dma_wait3A_745, %dma_wait3A_756, %dma_wait3A_757] : memref<2x128x64xf32, #tpu.memory_space<vmem>> -> memref<1x128x64xf32, #tpu.memory_space<vmem>>
        %dma_wait3A_759 = tpu.memref_squeeze %dma_wait3A_758 : memref<1x128x64xf32, #tpu.memory_space<vmem>> -> memref<128x64xf32, #tpu.memory_space<vmem>>
        tpu.wait_dma2 semaphore(%arg13 : memref<!tpu.dma_semaphore, #tpu.memory_space<semaphore_mem>>) src(%dma_wait3A_759 : memref<128x64xf32, #tpu.memory_space<vmem>>) dst(%dma_wait3A_755 : memref<128x64xf32, #tpu.memory_space<hbm>>)
      } else {
      }
      %shift_right_arithmetic3A_604 = arith.constant 7 : i32
      %shift_right_arithmetic3A_605 = arith.shrsi %select_n3A_561, %shift_right_arithmetic3A_604 : i32
      %and3A_606 = arith.constant 127 : i32
      %and3A_607 = arith.andi %select_n3A_561, %and3A_606 : i32
      %broadcast_in_dim3A_608 = vector.broadcast %and3A_607 : i32 to vector<16xi32>
      %gather3A_609 = arith.constant 0 : i32
      %gather3A_610 = arith.constant 0 : i32
      %gather3A_611 = tpu.memref_slice %arg8[%shift_right_arithmetic3A_605, %gather3A_609, %gather3A_610] : memref<2x64x128xf32, #tpu.memory_space<vmem>> -> memref<1x64x128xf32, #tpu.memory_space<vmem>>
      %gather3A_612 = tpu.memref_squeeze %gather3A_611 : memref<1x64x128xf32, #tpu.memory_space<vmem>> -> memref<64x128xf32, #tpu.memory_space<vmem>>
      %gather3A_613 = tpu.vector_load_idx %gather3A_612[%add3A_6, %broadcast_in_dim3A_608] : memref<64x128xf32, #tpu.memory_space<vmem>>[vector<16xi32>, vector<16xi32>], vector<16xf32>,
      %gather3A_614 = arith.constant 0 : i32
      %gather3A_615 = arith.constant 0 : i32
      %gather3A_616 = tpu.memref_slice %arg8[%shift_right_arithmetic3A_605, %gather3A_614, %gather3A_615] : memref<2x64x128xf32, #tpu.memory_space<vmem>> -> memref<1x64x128xf32, #tpu.memory_space<vmem>>
      %gather3A_617 = tpu.memref_squeeze %gather3A_616 : memref<1x64x128xf32, #tpu.memory_space<vmem>> -> memref<64x128xf32, #tpu.memory_space<vmem>>
      %gather3A_618 = tpu.vector_load_idx %gather3A_617[%add3A_9, %broadcast_in_dim3A_608] : memref<64x128xf32, #tpu.memory_space<vmem>>[vector<16xi32>, vector<16xi32>], vector<16xf32>,
      %gather3A_619 = arith.constant 0 : i32
      %gather3A_620 = arith.constant 0 : i32
      %gather3A_621 = tpu.memref_slice %arg8[%shift_right_arithmetic3A_605, %gather3A_619, %gather3A_620] : memref<2x64x128xf32, #tpu.memory_space<vmem>> -> memref<1x64x128xf32, #tpu.memory_space<vmem>>
      %gather3A_622 = tpu.memref_squeeze %gather3A_621 : memref<1x64x128xf32, #tpu.memory_space<vmem>> -> memref<64x128xf32, #tpu.memory_space<vmem>>
      %gather3A_623 = tpu.vector_load_idx %gather3A_622[%add3A_12, %broadcast_in_dim3A_608] : memref<64x128xf32, #tpu.memory_space<vmem>>[vector<16xi32>, vector<16xi32>], vector<16xf32>,
      %gather3A_624 = arith.constant 0 : i32
      %gather3A_625 = arith.constant 0 : i32
      %gather3A_626 = tpu.memref_slice %arg8[%shift_right_arithmetic3A_605, %gather3A_624, %gather3A_625] : memref<2x64x128xf32, #tpu.memory_space<vmem>> -> memref<1x64x128xf32, #tpu.memory_space<vmem>>
      %gather3A_627 = tpu.memref_squeeze %gather3A_626 : memref<1x64x128xf32, #tpu.memory_space<vmem>> -> memref<64x128xf32, #tpu.memory_space<vmem>>
      %gather3A_628 = tpu.vector_load_idx %gather3A_627[%add3A_15, %broadcast_in_dim3A_608] : memref<64x128xf32, #tpu.memory_space<vmem>>[vector<16xi32>, vector<16xi32>], vector<16xf32>,
      %scan3A_629 = arith.constant 0 : i32
      %scan3A_630 = arith.constant 0 : i32
      %scan3A_631 = arith.constant 32 : i32
      %scan3A_632 = arith.addi %scan3A_630, %scan3A_631 : i32
      %scan3A_633 = arith.constant 1 : i32
      scf.for %scan3A_700 = %scan3A_630 to %scan3A_632 step %scan3A_633  : i32 {
        %mul3A_701 = arith.constant 4 : i32
        %mul3A_702 = arith.muli %scan3A_700, %mul3A_701 : i32
        %add3A_703 = arith.constant 0 : i32
        %add3A_704 = arith.addi %mul3A_702, %add3A_703 : i32
        %get3A = arith.constant 1 : i32
        %get3A_705 = arith.index_cast %get3A : i32 to index
        %get3A_706 = arith.index_cast %add3A_704 : i32 to index
        %get3A_707 = arith.constant 0 : index
        %get3A_708 = tpu.vector_load %arg7[%get3A_705, %get3A_706, %get3A_707] {strides = array<i32>} : memref<2x128x128xf32, #tpu.memory_space<vmem>>, vector<16xf32>,
        %add3A_709 = arith.addf %get3A_708, %gather3A_613 : vector<16xf32>
        %swap3A = arith.constant 1 : i32
        %swap3A_710 = arith.index_cast %swap3A : i32 to index
        %swap3A_711 = arith.index_cast %add3A_704 : i32 to index
        %swap3A_712 = arith.constant 0 : index
        %swap3A_713 = tpu.vector_load %arg9[%swap3A_710, %swap3A_711, %swap3A_712] {strides = array<i32>} : memref<2x128x64xf32, #tpu.memory_space<vmem>>, vector<16xf32>,
        tpu.vector_store %arg9[%swap3A_710, %swap3A_711, %swap3A_712], %add3A_709 {strides = array<i32>} : memref<2x128x64xf32, #tpu.memory_space<vmem>>, vector<16xf32>,
        %get3A_714 = arith.constant 1 : i32
        %get3A_715 = arith.index_cast %get3A_714 : i32 to index
        %get3A_716 = arith.index_cast %add3A_704 : i32 to index
        %get3A_717 = arith.constant 16 : index
        %get3A_718 = tpu.vector_load %arg7[%get3A_715, %get3A_716, %get3A_717] {strides = array<i32>} : memref<2x128x128xf32, #tpu.memory_space<vmem>>, vector<16xf32>,
        %add3A_719 = arith.addf %get3A_718, %gather3A_618 : vector<16xf32>
        %swap3A_720 = arith.constant 1 : i32
        %swap3A_721 = arith.index_cast %swap3A_720 : i32 to index
        %swap3A_722 = arith.index_cast %add3A_704 : i32 to index
        %swap3A_723 = arith.constant 16 : index
        %swap3A_724 = tpu.vector_load %arg9[%swap3A_721, %swap3A_722, %swap3A_723] {strides = array<i32>} : memref<2x128x64xf32, #tpu.memory_space<vmem>>, vector<16xf32>,
        tpu.vector_store %arg9[%swap3A_721, %swap3A_722, %swap3A_723], %add3A_719 {strides = array<i32>} : memref<2x128x64xf32, #tpu.memory_space<vmem>>, vector<16xf32>,
        %get3A_725 = arith.constant 1 : i32
        %get3A_726 = arith.index_cast %get3A_725 : i32 to index
        %get3A_727 = arith.index_cast %add3A_704 : i32 to index
        %get3A_728 = arith.constant 32 : index
        %get3A_729 = tpu.vector_load %arg7[%get3A_726, %get3A_727, %get3A_728] {strides = array<i32>} : memref<2x128x128xf32, #tpu.memory_space<vmem>>, vector<16xf32>,
        %add3A_730 = arith.addf %get3A_729, %gather3A_623 : vector<16xf32>
        %swap3A_731 = arith.constant 1 : i32
        %swap3A_732 = arith.index_cast %swap3A_731 : i32 to index
        %swap3A_733 = arith.index_cast %add3A_704 : i32 to index
        %swap3A_734 = arith.constant 32 : index
        %swap3A_735 = tpu.vector_load %arg9[%swap3A_732, %swap3A_733, %swap3A_734] {strides = array<i32>} : memref<2x128x64xf32, #tpu.memory_space<vmem>>, vector<16xf32>,
        tpu.vector_store %arg9[%swap3A_732, %swap3A_733, %swap3A_734], %add3A_730 {strides = array<i32>} : memref<2x128x64xf32, #tpu.memory_space<vmem>>, vector<16xf32>,
        %get3A_736 = arith.constant 1 : i32
        %get3A_737 = arith.index_cast %get3A_736 : i32 to index
        %get3A_738 = arith.index_cast %add3A_704 : i32 to index
        %get3A_739 = arith.constant 48 : index
        %get3A_740 = tpu.vector_load %arg7[%get3A_737, %get3A_738, %get3A_739] {strides = array<i32>} : memref<2x128x128xf32, #tpu.memory_space<vmem>>, vector<16xf32>,
        %add3A_741 = arith.addf %get3A_740, %gather3A_628 : vector<16xf32>
        %swap3A_742 = arith.constant 1 : i32
        %swap3A_743 = arith.index_cast %swap3A_742 : i32 to index
        %swap3A_744 = arith.index_cast %add3A_704 : i32 to index
        %swap3A_745 = arith.constant 48 : index
        %swap3A_746 = tpu.vector_load %arg9[%swap3A_743, %swap3A_744, %swap3A_745] {strides = array<i32>} : memref<2x128x64xf32, #tpu.memory_space<vmem>>, vector<16xf32>,
        tpu.vector_store %arg9[%swap3A_743, %swap3A_744, %swap3A_745], %add3A_741 {strides = array<i32>} : memref<2x128x64xf32, #tpu.memory_space<vmem>>, vector<16xf32>,
        %mul3A_747 = arith.constant 4 : i32
        %mul3A_748 = arith.muli %scan3A_700, %mul3A_747 : i32
        %add3A_749 = arith.constant 1 : i32
        %add3A_750 = arith.addi %mul3A_748, %add3A_749 : i32
        %get3A_751 = arith.constant 1 : i32
        %get3A_752 = arith.index_cast %get3A_751 : i32 to index
        %get3A_753 = arith.index_cast %add3A_750 : i32 to index
        %get3A_754 = arith.constant 0 : index
        %get3A_755 = tpu.vector_load %arg7[%get3A_752, %get3A_753, %get3A_754] {strides = array<i32>} : memref<2x128x128xf32, #tpu.memory_space<vmem>>, vector<16xf32>,
        %add3A_756 = arith.addf %get3A_755, %gather3A_613 : vector<16xf32>
        %swap3A_757 = arith.constant 1 : i32
        %swap3A_758 = arith.index_cast %swap3A_757 : i32 to index
        %swap3A_759 = arith.index_cast %add3A_750 : i32 to index
        %swap3A_760 = arith.constant 0 : index
        %swap3A_761 = tpu.vector_load %arg9[%swap3A_758, %swap3A_759, %swap3A_760] {strides = array<i32>} : memref<2x128x64xf32, #tpu.memory_space<vmem>>, vector<16xf32>,
        tpu.vector_store %arg9[%swap3A_758, %swap3A_759, %swap3A_760], %add3A_756 {strides = array<i32>} : memref<2x128x64xf32, #tpu.memory_space<vmem>>, vector<16xf32>,
        %get3A_762 = arith.constant 1 : i32
        %get3A_763 = arith.index_cast %get3A_762 : i32 to index
        %get3A_764 = arith.index_cast %add3A_750 : i32 to index
        %get3A_765 = arith.constant 16 : index
        %get3A_766 = tpu.vector_load %arg7[%get3A_763, %get3A_764, %get3A_765] {strides = array<i32>} : memref<2x128x128xf32, #tpu.memory_space<vmem>>, vector<16xf32>,
        %add3A_767 = arith.addf %get3A_766, %gather3A_618 : vector<16xf32>
        %swap3A_768 = arith.constant 1 : i32
        %swap3A_769 = arith.index_cast %swap3A_768 : i32 to index
        %swap3A_770 = arith.index_cast %add3A_750 : i32 to index
        %swap3A_771 = arith.constant 16 : index
        %swap3A_772 = tpu.vector_load %arg9[%swap3A_769, %swap3A_770, %swap3A_771] {strides = array<i32>} : memref<2x128x64xf32, #tpu.memory_space<vmem>>, vector<16xf32>,
        tpu.vector_store %arg9[%swap3A_769, %swap3A_770, %swap3A_771], %add3A_767 {strides = array<i32>} : memref<2x128x64xf32, #tpu.memory_space<vmem>>, vector<16xf32>,
        %get3A_773 = arith.constant 1 : i32
        %get3A_774 = arith.index_cast %get3A_773 : i32 to index
        %get3A_775 = arith.index_cast %add3A_750 : i32 to index
        %get3A_776 = arith.constant 32 : index
        %get3A_777 = tpu.vector_load %arg7[%get3A_774, %get3A_775, %get3A_776] {strides = array<i32>} : memref<2x128x128xf32, #tpu.memory_space<vmem>>, vector<16xf32>,
        %add3A_778 = arith.addf %get3A_777, %gather3A_623 : vector<16xf32>
        %swap3A_779 = arith.constant 1 : i32
        %swap3A_780 = arith.index_cast %swap3A_779 : i32 to index
        %swap3A_781 = arith.index_cast %add3A_750 : i32 to index
        %swap3A_782 = arith.constant 32 : index
        %swap3A_783 = tpu.vector_load %arg9[%swap3A_780, %swap3A_781, %swap3A_782] {strides = array<i32>} : memref<2x128x64xf32, #tpu.memory_space<vmem>>, vector<16xf32>,
        tpu.vector_store %arg9[%swap3A_780, %swap3A_781, %swap3A_782], %add3A_778 {strides = array<i32>} : memref<2x128x64xf32, #tpu.memory_space<vmem>>, vector<16xf32>,
        %get3A_784 = arith.constant 1 : i32
        %get3A_785 = arith.index_cast %get3A_784 : i32 to index
        %get3A_786 = arith.index_cast %add3A_750 : i32 to index
        %get3A_787 = arith.constant 48 : index
        %get3A_788 = tpu.vector_load %arg7[%get3A_785, %get3A_786, %get3A_787] {strides = array<i32>} : memref<2x128x128xf32, #tpu.memory_space<vmem>>, vector<16xf32>,
        %add3A_789 = arith.addf %get3A_788, %gather3A_628 : vector<16xf32>
        %swap3A_790 = arith.constant 1 : i32
        %swap3A_791 = arith.index_cast %swap3A_790 : i32 to index
        %swap3A_792 = arith.index_cast %add3A_750 : i32 to index
        %swap3A_793 = arith.constant 48 : index
        %swap3A_794 = tpu.vector_load %arg9[%swap3A_791, %swap3A_792, %swap3A_793] {strides = array<i32>} : memref<2x128x64xf32, #tpu.memory_space<vmem>>, vector<16xf32>,
        tpu.vector_store %arg9[%swap3A_791, %swap3A_792, %swap3A_793], %add3A_789 {strides = array<i32>} : memref<2x128x64xf32, #tpu.memory_space<vmem>>, vector<16xf32>,
        %mul3A_795 = arith.constant 4 : i32
        %mul3A_796 = arith.muli %scan3A_700, %mul3A_795 : i32
        %add3A_797 = arith.constant 2 : i32
        %add3A_798 = arith.addi %mul3A_796, %add3A_797 : i32
        %get3A_799 = arith.constant 1 : i32
        %get3A_800 = arith.index_cast %get3A_799 : i32 to index
        %get3A_801 = arith.index_cast %add3A_798 : i32 to index
        %get3A_802 = arith.constant 0 : index
        %get3A_803 = tpu.vector_load %arg7[%get3A_800, %get3A_801, %get3A_802] {strides = array<i32>} : memref<2x128x128xf32, #tpu.memory_space<vmem>>, vector<16xf32>,
        %add3A_804 = arith.addf %get3A_803, %gather3A_613 : vector<16xf32>
        %swap3A_805 = arith.constant 1 : i32
        %swap3A_806 = arith.index_cast %swap3A_805 : i32 to index
        %swap3A_807 = arith.index_cast %add3A_798 : i32 to index
        %swap3A_808 = arith.constant 0 : index
        %swap3A_809 = tpu.vector_load %arg9[%swap3A_806, %swap3A_807, %swap3A_808] {strides = array<i32>} : memref<2x128x64xf32, #tpu.memory_space<vmem>>, vector<16xf32>,
        tpu.vector_store %arg9[%swap3A_806, %swap3A_807, %swap3A_808], %add3A_804 {strides = array<i32>} : memref<2x128x64xf32, #tpu.memory_space<vmem>>, vector<16xf32>,
        %get3A_810 = arith.constant 1 : i32
        %get3A_811 = arith.index_cast %get3A_810 : i32 to index
        %get3A_812 = arith.index_cast %add3A_798 : i32 to index
        %get3A_813 = arith.constant 16 : index
        %get3A_814 = tpu.vector_load %arg7[%get3A_811, %get3A_812, %get3A_813] {strides = array<i32>} : memref<2x128x128xf32, #tpu.memory_space<vmem>>, vector<16xf32>,
        %add3A_815 = arith.addf %get3A_814, %gather3A_618 : vector<16xf32>
        %swap3A_816 = arith.constant 1 : i32
        %swap3A_817 = arith.index_cast %swap3A_816 : i32 to index
        %swap3A_818 = arith.index_cast %add3A_798 : i32 to index
        %swap3A_819 = arith.constant 16 : index
        %swap3A_820 = tpu.vector_load %arg9[%swap3A_817, %swap3A_818, %swap3A_819] {strides = array<i32>} : memref<2x128x64xf32, #tpu.memory_space<vmem>>, vector<16xf32>,
        tpu.vector_store %arg9[%swap3A_817, %swap3A_818, %swap3A_819], %add3A_815 {strides = array<i32>} : memref<2x128x64xf32, #tpu.memory_space<vmem>>, vector<16xf32>,
        %get3A_821 = arith.constant 1 : i32
        %get3A_822 = arith.index_cast %get3A_821 : i32 to index
        %get3A_823 = arith.index_cast %add3A_798 : i32 to index
        %get3A_824 = arith.constant 32 : index
        %get3A_825 = tpu.vector_load %arg7[%get3A_822, %get3A_823, %get3A_824] {strides = array<i32>} : memref<2x128x128xf32, #tpu.memory_space<vmem>>, vector<16xf32>,
        %add3A_826 = arith.addf %get3A_825, %gather3A_623 : vector<16xf32>
        %swap3A_827 = arith.constant 1 : i32
        %swap3A_828 = arith.index_cast %swap3A_827 : i32 to index
        %swap3A_829 = arith.index_cast %add3A_798 : i32 to index
        %swap3A_830 = arith.constant 32 : index
        %swap3A_831 = tpu.vector_load %arg9[%swap3A_828, %swap3A_829, %swap3A_830] {strides = array<i32>} : memref<2x128x64xf32, #tpu.memory_space<vmem>>, vector<16xf32>,
        tpu.vector_store %arg9[%swap3A_828, %swap3A_829, %swap3A_830], %add3A_826 {strides = array<i32>} : memref<2x128x64xf32, #tpu.memory_space<vmem>>, vector<16xf32>,
        %get3A_832 = arith.constant 1 : i32
        %get3A_833 = arith.index_cast %get3A_832 : i32 to index
        %get3A_834 = arith.index_cast %add3A_798 : i32 to index
        %get3A_835 = arith.constant 48 : index
        %get3A_836 = tpu.vector_load %arg7[%get3A_833, %get3A_834, %get3A_835] {strides = array<i32>} : memref<2x128x128xf32, #tpu.memory_space<vmem>>, vector<16xf32>,
        %add3A_837 = arith.addf %get3A_836, %gather3A_628 : vector<16xf32>
        %swap3A_838 = arith.constant 1 : i32
        %swap3A_839 = arith.index_cast %swap3A_838 : i32 to index
        %swap3A_840 = arith.index_cast %add3A_798 : i32 to index
        %swap3A_841 = arith.constant 48 : index
        %swap3A_842 = tpu.vector_load %arg9[%swap3A_839, %swap3A_840, %swap3A_841] {strides = array<i32>} : memref<2x128x64xf32, #tpu.memory_space<vmem>>, vector<16xf32>,
        tpu.vector_store %arg9[%swap3A_839, %swap3A_840, %swap3A_841], %add3A_837 {strides = array<i32>} : memref<2x128x64xf32, #tpu.memory_space<vmem>>, vector<16xf32>,
        %mul3A_843 = arith.constant 4 : i32
        %mul3A_844 = arith.muli %scan3A_700, %mul3A_843 : i32
        %add3A_845 = arith.constant 3 : i32
        %add3A_846 = arith.addi %mul3A_844, %add3A_845 : i32
        %get3A_847 = arith.constant 1 : i32
        %get3A_848 = arith.index_cast %get3A_847 : i32 to index
        %get3A_849 = arith.index_cast %add3A_846 : i32 to index
        %get3A_850 = arith.constant 0 : index
        %get3A_851 = tpu.vector_load %arg7[%get3A_848, %get3A_849, %get3A_850] {strides = array<i32>} : memref<2x128x128xf32, #tpu.memory_space<vmem>>, vector<16xf32>,
        %add3A_852 = arith.addf %get3A_851, %gather3A_613 : vector<16xf32>
        %swap3A_853 = arith.constant 1 : i32
        %swap3A_854 = arith.index_cast %swap3A_853 : i32 to index
        %swap3A_855 = arith.index_cast %add3A_846 : i32 to index
        %swap3A_856 = arith.constant 0 : index
        %swap3A_857 = tpu.vector_load %arg9[%swap3A_854, %swap3A_855, %swap3A_856] {strides = array<i32>} : memref<2x128x64xf32, #tpu.memory_space<vmem>>, vector<16xf32>,
        tpu.vector_store %arg9[%swap3A_854, %swap3A_855, %swap3A_856], %add3A_852 {strides = array<i32>} : memref<2x128x64xf32, #tpu.memory_space<vmem>>, vector<16xf32>,
        %get3A_858 = arith.constant 1 : i32
        %get3A_859 = arith.index_cast %get3A_858 : i32 to index
        %get3A_860 = arith.index_cast %add3A_846 : i32 to index
        %get3A_861 = arith.constant 16 : index
        %get3A_862 = tpu.vector_load %arg7[%get3A_859, %get3A_860, %get3A_861] {strides = array<i32>} : memref<2x128x128xf32, #tpu.memory_space<vmem>>, vector<16xf32>,
        %add3A_863 = arith.addf %get3A_862, %gather3A_618 : vector<16xf32>
        %swap3A_864 = arith.constant 1 : i32
        %swap3A_865 = arith.index_cast %swap3A_864 : i32 to index
        %swap3A_866 = arith.index_cast %add3A_846 : i32 to index
        %swap3A_867 = arith.constant 16 : index
        %swap3A_868 = tpu.vector_load %arg9[%swap3A_865, %swap3A_866, %swap3A_867] {strides = array<i32>} : memref<2x128x64xf32, #tpu.memory_space<vmem>>, vector<16xf32>,
        tpu.vector_store %arg9[%swap3A_865, %swap3A_866, %swap3A_867], %add3A_863 {strides = array<i32>} : memref<2x128x64xf32, #tpu.memory_space<vmem>>, vector<16xf32>,
        %get3A_869 = arith.constant 1 : i32
        %get3A_870 = arith.index_cast %get3A_869 : i32 to index
        %get3A_871 = arith.index_cast %add3A_846 : i32 to index
        %get3A_872 = arith.constant 32 : index
        %get3A_873 = tpu.vector_load %arg7[%get3A_870, %get3A_871, %get3A_872] {strides = array<i32>} : memref<2x128x128xf32, #tpu.memory_space<vmem>>, vector<16xf32>,
        %add3A_874 = arith.addf %get3A_873, %gather3A_623 : vector<16xf32>
        %swap3A_875 = arith.constant 1 : i32
        %swap3A_876 = arith.index_cast %swap3A_875 : i32 to index
        %swap3A_877 = arith.index_cast %add3A_846 : i32 to index
        %swap3A_878 = arith.constant 32 : index
        %swap3A_879 = tpu.vector_load %arg9[%swap3A_876, %swap3A_877, %swap3A_878] {strides = array<i32>} : memref<2x128x64xf32, #tpu.memory_space<vmem>>, vector<16xf32>,
        tpu.vector_store %arg9[%swap3A_876, %swap3A_877, %swap3A_878], %add3A_874 {strides = array<i32>} : memref<2x128x64xf32, #tpu.memory_space<vmem>>, vector<16xf32>,
        %get3A_880 = arith.constant 1 : i32
        %get3A_881 = arith.index_cast %get3A_880 : i32 to index
        %get3A_882 = arith.index_cast %add3A_846 : i32 to index
        %get3A_883 = arith.constant 48 : index
        %get3A_884 = tpu.vector_load %arg7[%get3A_881, %get3A_882, %get3A_883] {strides = array<i32>} : memref<2x128x128xf32, #tpu.memory_space<vmem>>, vector<16xf32>,
        %add3A_885 = arith.addf %get3A_884, %gather3A_628 : vector<16xf32>
        %swap3A_886 = arith.constant 1 : i32
        %swap3A_887 = arith.index_cast %swap3A_886 : i32 to index
        %swap3A_888 = arith.index_cast %add3A_846 : i32 to index
        %swap3A_889 = arith.constant 48 : index
        %swap3A_890 = tpu.vector_load %arg9[%swap3A_887, %swap3A_888, %swap3A_889] {strides = array<i32>} : memref<2x128x64xf32, #tpu.memory_space<vmem>>, vector<16xf32>,
        tpu.vector_store %arg9[%swap3A_887, %swap3A_888, %swap3A_889], %add3A_885 {strides = array<i32>} : memref<2x128x64xf32, #tpu.memory_space<vmem>>, vector<16xf32>,
      }
      %scan3A_634 = arith.constant 32 : i32
      %add3A_635 = arith.addi %mul3A_2, %add3A_536 : i32
      %jit3A_636 = arith.constant 8 : i32
      %div3A_637 = arith.divsi %add3A_635, %jit3A_636 : i32
      %sign3A_638 = arith.constant 0 : i32
      %sign3A_639 = arith.cmpi sgt, %add3A_635, %sign3A_638 : i32
      %sign3A_640 = arith.extui %sign3A_639 : i1 to i32
      %sign3A_641 = arith.constant 0 : i32
      %sign3A_642 = arith.cmpi slt, %add3A_635, %sign3A_641 : i32
      %sign3A_643 = arith.extui %sign3A_642 : i1 to i32
      %sign3A_644 = arith.subi %sign3A_640, %sign3A_643 : i32
      %sign3A_645 = arith.constant 0 : i32
      %sign3A_646 = arith.cmpi sgt, %jit3A_636, %sign3A_645 : i32
      %sign3A_647 = arith.extui %sign3A_646 : i1 to i32
      %sign3A_648 = arith.constant 0 : i32
      %sign3A_649 = arith.cmpi slt, %jit3A_636, %sign3A_648 : i32
      %sign3A_650 = arith.extui %sign3A_649 : i1 to i32
      %sign3A_651 = arith.subi %sign3A_647, %sign3A_650 : i32
      %ne3A_652 = arith.cmpi ne, %sign3A_644, %sign3A_651 : i32
      %rem3A_653 = arith.remsi %add3A_635, %jit3A_636 : i32
      %ne3A_654 = arith.constant 0 : i32
      %ne3A_655 = arith.cmpi ne, %rem3A_653, %ne3A_654 : i32
      %and3A_656 = arith.andi %ne3A_652, %ne3A_655 : i1
      %sub3A_657 = arith.constant 1 : i32
      %sub3A_658 = arith.subi %div3A_637, %sub3A_657 : i32
      %select_n3A_659 = arith.select %and3A_656, %sub3A_658, %div3A_637 : i32
      %jit3A_660 = arith.constant 8 : i32
      %eq3A_661 = arith.constant 0 : i32
      %eq3A_662 = arith.cmpi eq, %jit3A_660, %eq3A_661 : i32
      %jit3A_663 = arith.constant 1 : i32
      %select_n3A_664 = arith.select %eq3A_662, %jit3A_663, %jit3A_660 : i32
      %rem3A_665 = arith.remsi %add3A_635, %select_n3A_664 : i32
      %ne3A_666 = arith.constant 0 : i32
      %ne3A_667 = arith.cmpi ne, %rem3A_665, %ne3A_666 : i32
      %lt3A_668 = arith.constant 0 : i32
      %lt3A_669 = arith.cmpi slt, %rem3A_665, %lt3A_668 : i32
      %lt3A_670 = arith.constant 0 : i32
      %lt3A_671 = arith.cmpi slt, %select_n3A_664, %lt3A_670 : i32
      %ne3A_672 = arith.xori %lt3A_669, %lt3A_671 : i1
      %and3A_673 = arith.andi %ne3A_672, %ne3A_667 : i1
      %add3A_674 = arith.addi %rem3A_665, %select_n3A_664 : i32
      %select_n3A_675 = arith.select %and3A_673, %add3A_674, %rem3A_665 : i32
      %mul3A_676 = arith.constant 128 : i32
      %mul3A_677 = arith.muli %select_n3A_675, %mul3A_676 : i32
      %dma_start3A_678 = arith.constant 1 : i32
      %dma_start3A_679 = arith.constant 0 : i32
      %dma_start3A_680 = arith.constant 0 : i32
      %dma_start3A_681 = tpu.memref_slice %arg9[%dma_start3A_678, %dma_start3A_679, %dma_start3A_680] : memref<2x128x64xf32, #tpu.memory_space<vmem>> -> memref<1x128x64xf32, #tpu.memory_space<vmem>>
      %dma_start3A_682 = tpu.memref_squeeze %dma_start3A_681 : memref<1x128x64xf32, #tpu.memory_space<vmem>> -> memref<128x64xf32, #tpu.memory_space<vmem>>
      %dma_start3A_683 = arith.constant 0 : i32
      %dma_start3A_684 = tpu.memref_slice %arg5[%select_n3A_659, %mul3A_677, %dma_start3A_683] : memref<200x1024x64xf32, #tpu.memory_space<hbm>> -> memref<1x128x64xf32, #tpu.memory_space<hbm>>
      %dma_start3A_685 = tpu.memref_squeeze %dma_start3A_684 : memref<1x128x64xf32, #tpu.memory_space<hbm>> -> memref<128x64xf32, #tpu.memory_space<hbm>>
      %dma_start3A_686 = arith.constant 0 : i32
      %dma_start3A_687 = tpu.memref_slice %arg5[%select_n3A_659, %mul3A_677, %dma_start3A_686] : memref<200x1024x64xf32, #tpu.memory_space<hbm>> -> memref<1x128x64xf32, #tpu.memory_space<hbm>>
      %dma_start3A_688 = tpu.memref_squeeze %dma_start3A_687 : memref<1x128x64xf32, #tpu.memory_space<hbm>> -> memref<128x64xf32, #tpu.memory_space<hbm>>
      %dma_start3A_689 = arith.constant 0 : i32
      %dma_start3A_690 = arith.constant 0 : i32
      %dma_start3A_691 = tpu.memref_slice %arg9[%dma_start3A_678, %dma_start3A_689, %dma_start3A_690] : memref<2x128x64xf32, #tpu.memory_space<vmem>> -> memref<1x128x64xf32, #tpu.memory_space<vmem>>
      %dma_start3A_692 = tpu.memref_squeeze %dma_start3A_691 : memref<1x128x64xf32, #tpu.memory_space<vmem>> -> memref<128x64xf32, #tpu.memory_space<vmem>>
      tpu.enqueue_dma source(%dma_start3A_692 : memref<128x64xf32, #tpu.memory_space<vmem>>) target(%dma_start3A_688 : memref<128x64xf32, #tpu.memory_space<hbm>>) target_semaphore(%arg13 : memref<!tpu.dma_semaphore, #tpu.memory_space<semaphore_mem>>)
      %add3A_693 = arith.constant 2 : i32
      %add3A_694 = arith.addi %add3A_536, %add3A_693 : i32
      %lt3A_695 = arith.constant 50 : i32
      %lt3A_696 = arith.cmpi slt, %add3A_694, %lt3A_695 : i32
      %convert_element_type3A_697 = arith.extui %lt3A_696 : i1 to i32
      %cond3A_698 = arith.constant 0 : i32
      %cond3A_699 = arith.cmpi ne, %convert_element_type3A_697, %cond3A_698 : i32
      scf.if %cond3A_699 {
        %add3A_700 = arith.constant 2 : i32
        %add3A_701 = arith.addi %add3A_536, %add3A_700 : i32
        %add3A_702 = arith.addi %mul3A_2, %add3A_701 : i32
        %jit3A_703 = arith.constant 8 : i32
        %div3A_704 = arith.divsi %add3A_702, %jit3A_703 : i32
        %sign3A_705 = arith.constant 0 : i32
        %sign3A_706 = arith.cmpi sgt, %add3A_702, %sign3A_705 : i32
        %sign3A_707 = arith.extui %sign3A_706 : i1 to i32
        %sign3A_708 = arith.constant 0 : i32
        %sign3A_709 = arith.cmpi slt, %add3A_702, %sign3A_708 : i32
        %sign3A_710 = arith.extui %sign3A_709 : i1 to i32
        %sign3A_711 = arith.subi %sign3A_707, %sign3A_710 : i32
        %sign3A_712 = arith.constant 0 : i32
        %sign3A_713 = arith.cmpi sgt, %jit3A_703, %sign3A_712 : i32
        %sign3A_714 = arith.extui %sign3A_713 : i1 to i32
        %sign3A_715 = arith.constant 0 : i32
        %sign3A_716 = arith.cmpi slt, %jit3A_703, %sign3A_715 : i32
        %sign3A_717 = arith.extui %sign3A_716 : i1 to i32
        %sign3A_718 = arith.subi %sign3A_714, %sign3A_717 : i32
        %ne3A_719 = arith.cmpi ne, %sign3A_711, %sign3A_718 : i32
        %rem3A_720 = arith.remsi %add3A_702, %jit3A_703 : i32
        %ne3A_721 = arith.constant 0 : i32
        %ne3A_722 = arith.cmpi ne, %rem3A_720, %ne3A_721 : i32
        %and3A_723 = arith.andi %ne3A_719, %ne3A_722 : i1
        %sub3A_724 = arith.constant 1 : i32
        %sub3A_725 = arith.subi %div3A_704, %sub3A_724 : i32
        %select_n3A_726 = arith.select %and3A_723, %sub3A_725, %div3A_704 : i32
        %jit3A_727 = arith.constant 8 : i32
        %eq3A_728 = arith.constant 0 : i32
        %eq3A_729 = arith.cmpi eq, %jit3A_727, %eq3A_728 : i32
        %jit3A_730 = arith.constant 1 : i32
        %select_n3A_731 = arith.select %eq3A_729, %jit3A_730, %jit3A_727 : i32
        %rem3A_732 = arith.remsi %add3A_702, %select_n3A_731 : i32
        %ne3A_733 = arith.constant 0 : i32
        %ne3A_734 = arith.cmpi ne, %rem3A_732, %ne3A_733 : i32
        %lt3A_735 = arith.constant 0 : i32
        %lt3A_736 = arith.cmpi slt, %rem3A_732, %lt3A_735 : i32
        %lt3A_737 = arith.constant 0 : i32
        %lt3A_738 = arith.cmpi slt, %select_n3A_731, %lt3A_737 : i32
        %ne3A_739 = arith.xori %lt3A_736, %lt3A_738 : i1
        %and3A_740 = arith.andi %ne3A_739, %ne3A_734 : i1
        %add3A_741 = arith.addi %rem3A_732, %select_n3A_731 : i32
        %select_n3A_742 = arith.select %and3A_740, %add3A_741, %rem3A_732 : i32
        %mul3A_743 = arith.constant 128 : i32
        %mul3A_744 = arith.muli %select_n3A_742, %mul3A_743 : i32
        %dma_wait3A_745 = arith.constant 1 : i32
        %dma_wait3A_746 = arith.constant 0 : i32
        %dma_wait3A_747 = tpu.memref_slice %arg6[%dma_wait3A_745, %dma_wait3A_746] : memref<2x128xi32, #tpu.memory_space<vmem>> -> memref<1x128xi32, #tpu.memory_space<vmem>>
        %dma_wait3A_748 = tpu.memref_squeeze %dma_wait3A_747 : memref<1x128xi32, #tpu.memory_space<vmem>> -> memref<128xi32, #tpu.memory_space<vmem>>
        %dma_wait3A_749 = tpu.memref_slice %arg2[%select_n3A_726, %mul3A_744] : memref<200x1024xi32, #tpu.memory_space<hbm>> -> memref<1x128xi32, #tpu.memory_space<hbm>>
        %dma_wait3A_750 = tpu.memref_squeeze %dma_wait3A_749 : memref<1x128xi32, #tpu.memory_space<hbm>> -> memref<128xi32, #tpu.memory_space<hbm>>
        %dma_wait3A_751 = arith.constant 0 : i32
        %dma_wait3A_752 = tpu.memref_slice %arg6[%dma_wait3A_745, %dma_wait3A_751] : memref<2x128xi32, #tpu.memory_space<vmem>> -> memref<1x128xi32, #tpu.memory_space<vmem>>
        %dma_wait3A_753 = tpu.memref_squeeze %dma_wait3A_752 : memref<1x128xi32, #tpu.memory_space<vmem>> -> memref<128xi32, #tpu.memory_space<vmem>>
        %dma_wait3A_754 = tpu.memref_slice %arg2[%select_n3A_726, %mul3A_744] : memref<200x1024xi32, #tpu.memory_space<hbm>> -> memref<1x128xi32, #tpu.memory_space<hbm>>
        %dma_wait3A_755 = tpu.memref_squeeze %dma_wait3A_754 : memref<1x128xi32, #tpu.memory_space<hbm>> -> memref<128xi32, #tpu.memory_space<hbm>>
        tpu.wait_dma2 semaphore(%arg15 : memref<!tpu.dma_semaphore, #tpu.memory_space<semaphore_mem>>) src(%dma_wait3A_755 : memref<128xi32, #tpu.memory_space<hbm>>) dst(%dma_wait3A_753 : memref<128xi32, #tpu.memory_space<vmem>>)
        %add3A_756 = arith.constant 2 : i32
        %add3A_757 = arith.addi %add3A_536, %add3A_756 : i32
        %dma_start3A_758 = arith.constant 1 : i32
        %dma_start3A_759 = arith.constant 1 : i32
        %dma_start3A_760 = arith.constant 0 : i32
        %dma_start3A_761 = arith.constant 0 : i32
        %dma_start3A_762 = tpu.memref_slice %arg7[%dma_start3A_759, %dma_start3A_760, %dma_start3A_761] : memref<2x128x128xf32, #tpu.memory_space<vmem>> -> memref<1x128x128xf32, #tpu.memory_space<vmem>>
        %dma_start3A_763 = tpu.memref_squeeze %dma_start3A_762 : memref<1x128x128xf32, #tpu.memory_space<vmem>> -> memref<128x128xf32, #tpu.memory_space<vmem>>
        %dma_start3A_764 = arith.constant 0 : i32
        %dma_start3A_765 = tpu.memref_slice %arg6[%dma_start3A_758, %dma_start3A_764] : memref<2x128xi32, #tpu.memory_space<vmem>> -> memref<1x128xi32, #tpu.memory_space<vmem>>
        %dma_start3A_766 = tpu.memref_squeeze %dma_start3A_765 : memref<1x128xi32, #tpu.memory_space<vmem>> -> memref<128xi32, #tpu.memory_space<vmem>>
        %dma_start3A_767 = arith.constant 0 : i32
        %dma_start3A_768 = arith.constant 0 : i32
        %dma_start3A_769 = tpu.memref_slice %arg3[%dma_start3A_767, %dma_start3A_768] : memref<1000000x128xf32, #tpu.memory_space<hbm>> -> memref<1000000x128xf32, #tpu.memory_space<hbm>>
        tpu.enqueue_indirect_dma source(%dma_start3A_769 : memref<1000000x128xf32, #tpu.memory_space<hbm>>) target(%dma_start3A_763 : memref<128x128xf32, #tpu.memory_space<vmem>>) offsets(%dma_start3A_766 : memref<128xi32, #tpu.memory_space<vmem>>) semaphore(%arg11 : memref<!tpu.dma_semaphore, #tpu.memory_space<semaphore_mem>>)
      } else {
      }
    }
    %scan3A_252 = arith.constant 25 : i32
    %add3A_253 = arith.constant 48 : i32
    %add3A_254 = arith.addi %mul3A_2, %add3A_253 : i32
    %jit3A_255 = arith.constant 8 : i32
    %div3A_256 = arith.divsi %add3A_254, %jit3A_255 : i32
    %sign3A_257 = arith.constant 0 : i32
    %sign3A_258 = arith.cmpi sgt, %add3A_254, %sign3A_257 : i32
    %sign3A_259 = arith.extui %sign3A_258 : i1 to i32
    %sign3A_260 = arith.constant 0 : i32
    %sign3A_261 = arith.cmpi slt, %add3A_254, %sign3A_260 : i32
    %sign3A_262 = arith.extui %sign3A_261 : i1 to i32
    %sign3A_263 = arith.subi %sign3A_259, %sign3A_262 : i32
    %sign3A_264 = arith.constant 0 : i32
    %sign3A_265 = arith.cmpi sgt, %jit3A_255, %sign3A_264 : i32
    %sign3A_266 = arith.extui %sign3A_265 : i1 to i32
    %sign3A_267 = arith.constant 0 : i32
    %sign3A_268 = arith.cmpi slt, %jit3A_255, %sign3A_267 : i32
    %sign3A_269 = arith.extui %sign3A_268 : i1 to i32
    %sign3A_270 = arith.subi %sign3A_266, %sign3A_269 : i32
    %ne3A_271 = arith.cmpi ne, %sign3A_263, %sign3A_270 : i32
    %rem3A_272 = arith.remsi %add3A_254, %jit3A_255 : i32
    %ne3A_273 = arith.constant 0 : i32
    %ne3A_274 = arith.cmpi ne, %rem3A_272, %ne3A_273 : i32
    %and3A_275 = arith.andi %ne3A_271, %ne3A_274 : i1
    %sub3A_276 = arith.constant 1 : i32
    %sub3A_277 = arith.subi %div3A_256, %sub3A_276 : i32
    %select_n3A_278 = arith.select %and3A_275, %sub3A_277, %div3A_256 : i32
    %jit3A_279 = arith.constant 8 : i32
    %eq3A_280 = arith.constant 0 : i32
    %eq3A_281 = arith.cmpi eq, %jit3A_279, %eq3A_280 : i32
    %jit3A_282 = arith.constant 1 : i32
    %select_n3A_283 = arith.select %eq3A_281, %jit3A_282, %jit3A_279 : i32
    %rem3A_284 = arith.remsi %add3A_254, %select_n3A_283 : i32
    %ne3A_285 = arith.constant 0 : i32
    %ne3A_286 = arith.cmpi ne, %rem3A_284, %ne3A_285 : i32
    %lt3A_287 = arith.constant 0 : i32
    %lt3A_288 = arith.cmpi slt, %rem3A_284, %lt3A_287 : i32
    %lt3A_289 = arith.constant 0 : i32
    %lt3A_290 = arith.cmpi slt, %select_n3A_283, %lt3A_289 : i32
    %ne3A_291 = arith.xori %lt3A_288, %lt3A_290 : i1
    %and3A_292 = arith.andi %ne3A_291, %ne3A_286 : i1
    %add3A_293 = arith.addi %rem3A_284, %select_n3A_283 : i32
    %select_n3A_294 = arith.select %and3A_292, %add3A_293, %rem3A_284 : i32
    %mul3A_295 = arith.constant 128 : i32
    %mul3A_296 = arith.muli %select_n3A_294, %mul3A_295 : i32
    %dma_wait3A_297 = arith.constant 0 : i32
    %dma_wait3A_298 = arith.constant 0 : i32
    %dma_wait3A_299 = arith.constant 0 : i32
    %dma_wait3A_300 = tpu.memref_slice %arg9[%dma_wait3A_297, %dma_wait3A_298, %dma_wait3A_299] : memref<2x128x64xf32, #tpu.memory_space<vmem>> -> memref<1x128x64xf32, #tpu.memory_space<vmem>>
    %dma_wait3A_301 = tpu.memref_squeeze %dma_wait3A_300 : memref<1x128x64xf32, #tpu.memory_space<vmem>> -> memref<128x64xf32, #tpu.memory_space<vmem>>
    %dma_wait3A_302 = arith.constant 0 : i32
    %dma_wait3A_303 = tpu.memref_slice %arg5[%select_n3A_278, %mul3A_296, %dma_wait3A_302] : memref<200x1024x64xf32, #tpu.memory_space<hbm>> -> memref<1x128x64xf32, #tpu.memory_space<hbm>>
    %dma_wait3A_304 = tpu.memref_squeeze %dma_wait3A_303 : memref<1x128x64xf32, #tpu.memory_space<hbm>> -> memref<128x64xf32, #tpu.memory_space<hbm>>
    %dma_wait3A_305 = arith.constant 0 : i32
    %dma_wait3A_306 = tpu.memref_slice %arg5[%select_n3A_278, %mul3A_296, %dma_wait3A_305] : memref<200x1024x64xf32, #tpu.memory_space<hbm>> -> memref<1x128x64xf32, #tpu.memory_space<hbm>>
    %dma_wait3A_307 = tpu.memref_squeeze %dma_wait3A_306 : memref<1x128x64xf32, #tpu.memory_space<hbm>> -> memref<128x64xf32, #tpu.memory_space<hbm>>
    %dma_wait3A_308 = arith.constant 0 : i32
    %dma_wait3A_309 = arith.constant 0 : i32
    %dma_wait3A_310 = tpu.memref_slice %arg9[%dma_wait3A_297, %dma_wait3A_308, %dma_wait3A_309] : memref<2x128x64xf32, #tpu.memory_space<vmem>> -> memref<1x128x64xf32, #tpu.memory_space<vmem>>
    %dma_wait3A_311 = tpu.memref_squeeze %dma_wait3A_310 : memref<1x128x64xf32, #tpu.memory_space<vmem>> -> memref<128x64xf32, #tpu.memory_space<vmem>>
    tpu.wait_dma2 semaphore(%arg12 : memref<!tpu.dma_semaphore, #tpu.memory_space<semaphore_mem>>) src(%dma_wait3A_311 : memref<128x64xf32, #tpu.memory_space<vmem>>) dst(%dma_wait3A_307 : memref<128x64xf32, #tpu.memory_space<hbm>>)
    %add3A_312 = arith.constant 49 : i32
    %add3A_313 = arith.addi %mul3A_2, %add3A_312 : i32
    %jit3A_314 = arith.constant 8 : i32
    %div3A_315 = arith.divsi %add3A_313, %jit3A_314 : i32
    %sign3A_316 = arith.constant 0 : i32
    %sign3A_317 = arith.cmpi sgt, %add3A_313, %sign3A_316 : i32
    %sign3A_318 = arith.extui %sign3A_317 : i1 to i32
    %sign3A_319 = arith.constant 0 : i32
    %sign3A_320 = arith.cmpi slt, %add3A_313, %sign3A_319 : i32
    %sign3A_321 = arith.extui %sign3A_320 : i1 to i32
    %sign3A_322 = arith.subi %sign3A_318, %sign3A_321 : i32
    %sign3A_323 = arith.constant 0 : i32
    %sign3A_324 = arith.cmpi sgt, %jit3A_314, %sign3A_323 : i32
    %sign3A_325 = arith.extui %sign3A_324 : i1 to i32
    %sign3A_326 = arith.constant 0 : i32
    %sign3A_327 = arith.cmpi slt, %jit3A_314, %sign3A_326 : i32
    %sign3A_328 = arith.extui %sign3A_327 : i1 to i32
    %sign3A_329 = arith.subi %sign3A_325, %sign3A_328 : i32
    %ne3A_330 = arith.cmpi ne, %sign3A_322, %sign3A_329 : i32
    %rem3A_331 = arith.remsi %add3A_313, %jit3A_314 : i32
    %ne3A_332 = arith.constant 0 : i32
    %ne3A_333 = arith.cmpi ne, %rem3A_331, %ne3A_332 : i32
    %and3A_334 = arith.andi %ne3A_330, %ne3A_333 : i1
    %sub3A_335 = arith.constant 1 : i32
    %sub3A_336 = arith.subi %div3A_315, %sub3A_335 : i32
    %select_n3A_337 = arith.select %and3A_334, %sub3A_336, %div3A_315 : i32
    %jit3A_338 = arith.constant 8 : i32
    %eq3A_339 = arith.constant 0 : i32
    %eq3A_340 = arith.cmpi eq, %jit3A_338, %eq3A_339 : i32
    %jit3A_341 = arith.constant 1 : i32
    %select_n3A_342 = arith.select %eq3A_340, %jit3A_341, %jit3A_338 : i32
    %rem3A_343 = arith.remsi %add3A_313, %select_n3A_342 : i32
    %ne3A_344 = arith.constant 0 : i32
    %ne3A_345 = arith.cmpi ne, %rem3A_343, %ne3A_344 : i32
    %lt3A_346 = arith.constant 0 : i32
    %lt3A_347 = arith.cmpi slt, %rem3A_343, %lt3A_346 : i32
    %lt3A_348 = arith.constant 0 : i32
    %lt3A_349 = arith.cmpi slt, %select_n3A_342, %lt3A_348 : i32
    %ne3A_350 = arith.xori %lt3A_347, %lt3A_349 : i1
    %and3A_351 = arith.andi %ne3A_350, %ne3A_345 : i1
    %add3A_352 = arith.addi %rem3A_343, %select_n3A_342 : i32
    %select_n3A_353 = arith.select %and3A_351, %add3A_352, %rem3A_343 : i32
    %mul3A_354 = arith.constant 128 : i32
    %mul3A_355 = arith.muli %select_n3A_353, %mul3A_354 : i32
    %dma_wait3A_356 = arith.constant 1 : i32
    %dma_wait3A_357 = arith.constant 0 : i32
    %dma_wait3A_358 = arith.constant 0 : i32
    %dma_wait3A_359 = tpu.memref_slice %arg9[%dma_wait3A_356, %dma_wait3A_357, %dma_wait3A_358] : memref<2x128x64xf32, #tpu.memory_space<vmem>> -> memref<1x128x64xf32, #tpu.memory_space<vmem>>
    %dma_wait3A_360 = tpu.memref_squeeze %dma_wait3A_359 : memref<1x128x64xf32, #tpu.memory_space<vmem>> -> memref<128x64xf32, #tpu.memory_space<vmem>>
    %dma_wait3A_361 = arith.constant 0 : i32
    %dma_wait3A_362 = tpu.memref_slice %arg5[%select_n3A_337, %mul3A_355, %dma_wait3A_361] : memref<200x1024x64xf32, #tpu.memory_space<hbm>> -> memref<1x128x64xf32, #tpu.memory_space<hbm>>
    %dma_wait3A_363 = tpu.memref_squeeze %dma_wait3A_362 : memref<1x128x64xf32, #tpu.memory_space<hbm>> -> memref<128x64xf32, #tpu.memory_space<hbm>>
    %dma_wait3A_364 = arith.constant 0 : i32
    %dma_wait3A_365 = tpu.memref_slice %arg5[%select_n3A_337, %mul3A_355, %dma_wait3A_364] : memref<200x1024x64xf32, #tpu.memory_space<hbm>> -> memref<1x128x64xf32, #tpu.memory_space<hbm>>
    %dma_wait3A_366 = tpu.memref_squeeze %dma_wait3A_365 : memref<1x128x64xf32, #tpu.memory_space<hbm>> -> memref<128x64xf32, #tpu.memory_space<hbm>>
    %dma_wait3A_367 = arith.constant 0 : i32
    %dma_wait3A_368 = arith.constant 0 : i32
    %dma_wait3A_369 = tpu.memref_slice %arg9[%dma_wait3A_356, %dma_wait3A_367, %dma_wait3A_368] : memref<2x128x64xf32, #tpu.memory_space<vmem>> -> memref<1x128x64xf32, #tpu.memory_space<vmem>>
    %dma_wait3A_370 = tpu.memref_squeeze %dma_wait3A_369 : memref<1x128x64xf32, #tpu.memory_space<vmem>> -> memref<128x64xf32, #tpu.memory_space<vmem>>
    tpu.wait_dma2 semaphore(%arg13 : memref<!tpu.dma_semaphore, #tpu.memory_space<semaphore_mem>>) src(%dma_wait3A_370 : memref<128x64xf32, #tpu.memory_space<vmem>>) dst(%dma_wait3A_366 : memref<128x64xf32, #tpu.memory_space<hbm>>)
    return
  }
}

</mosaic_0001>

<sc_bundles>
// kernel: kernel.3.cloned.1.call-start
scs
__scs_entry_jumppad:
0x0: {  	(pc) =	sbr.rel $0x88, $3  }
0x1: {  	(tag) =	ssettag $0x0;
	lr =	simm.s32 $0x1  }
0x2: {  	[smem:$0x3F9E] =	sst lr;
	_ =	strace $0xD0000000  }
0x3: {  	_ = 	snop  }
0x4: {  	_ = 	snop  }
0x5: {  	_ = 	snop  }
0x6: {  	_ = 	snop  }
0x7: {  	_ = 	snop  }
__scs_overlays_trampoline_lowered:
0x8: {  	[smem:$0x3FAD] =	sst s0  }
0x9: {  	[smem:$0x3FAE] =	sst s1  }
0xa: {  	[smem:$0x3FAF] =	sst s2  }
0xb: {  	[smem:$0x3FB0] =	sst s3  }
0xc: {  	[smem:$0x3FB1] =	sst s4  }
0xd: {  	[smem:$0x3FB2] =	sst s5  }
0xe: {  	[smem:$0x3FB3] =	sst s6  }
0xf: {  	[smem:$0x3FB4] =	sst s7  }
0x10: {  	[smem:$0x3FB5] =	sst s8  }
0x11: {  	[smem:$0x3FB6] =	sst s9;
	s0 =	simm.s32 @!p0 $0x0  }
0x12: {  	s1 =	sld [smem:$0x3F9C];
	s0 =	simm.s32 @p0 $0x1  }
0x13: {  	[smem:$0x3FB7] =	sst s0;
	s0 =	simm.s32 @!p1 $0x0  }
0x14: {  	s2 =	sld [smem:$0x3F9B];
	s0 =	simm.s32 @p1 $0x1  }
0x15: {  	[smem:$0x3FB8] =	sst s0;
	s0 =	simm.s32 @!p2 $0x0  }
0x16: {  	s3 =	sld [smem:$0x3FDB];
	s0 =	simm.s32 @p2 $0x1  }
0x17: {  	s4 =	simm.s32 $0x1BF5;
	[smem:$0x3FBA] =	sst s0  }
0x18: {  	s0 =	sld [smem:$0x3F9D];
	_ =	swait.ge [sflag:s4], $0x0  }
0x19: {  	s7 =	sld [smem:$0x3F9E]  }
0x1a: {  	s8 =	sadd.s32 $0xFFFFE003, lr  }
0x1b: {  	s9 =	sadd.s32 $0xFFFFFEF7, lr;
	s5 =	simm.s32 $0xFFFFFFFF;
	p2 =	slt.u32 s8, $0xFFFFF086  }
0x1c: {  	p1 =	slt.u32 s9, $0xF7A;
	s5 =	simm.s32 @!p2 $0x0  }
0x1d: {  	s5 =	simm.s32 @p1 $0x1;
	p0 =	seq.s32 s7, s2  }
0x1e: {  	s7 =	smul.u32 @!p0 $0xF7A, s2;
	p2 =	seq.s32 @!p0 s5, $0x0  }
0x1f: {  	s9 =	smul.u32 $0xF7A, s1;
	s8 =	simm.s32 @!p0 $0x1BF5;
	p2 =	por !p2, p0  }
0x20: {  	[sflag:s8] =	ssyncset.s32 @!p0 $0xFFFFF086;
	s6 =	sadd.s32 @!p0 s3, s7;
	s7 =	simm.s32 @!p0 $0x108  }
0x21: {  	s3 =	sadd.s32 s3, s9;
	s6 =	sadd.s32 @!p0 $0x88, s6;
	s7 =	simm.s32 @p2 $0x1082  }
0x22: {  	[simem:s7], [sflag:s8] =	dma.local @!p0 [hbm:s6], $0xF7A  }
0x23: {  	s9 =	sor.u32 $0xD0000000, s2;
	s6 =	simm.s32 $0x108;
	_ =	swait.ge @!p0 [sflag:s8], $0x0  }
0x24: {  	s3 =	sadd.s32 $0x88, s3;
	s6 =	simm.s32 @!p1 $0x1082;
	[sflag:s4] =	ssyncset.s32 $0xFFFFF086  }
0x25: {  	[simem:s6], [sflag:s4] =	dma.local [hbm:s3], $0xF7A  }
0x26: {  	[smem:$0x3F9E] =	sst s1;
	(tag) =	ssettag s2;
	_ =	strace s9  }
0x27: {  	s1 =	sld [smem:$0x3FAE]  }
0x28: {  	s2 =	sld [smem:$0x3FAF]  }
0x29: {  	s4 =	sld [smem:$0x3FB1]  }
0x2a: {  	p0 =	seq.s32 s5, $0x0;
	s5 =	sld [smem:$0x3FB2]  }
0x2b: {  	s6 =	sld [smem:$0x3FB3]  }
0x2c: {  	s7 =	sld [smem:$0x3FB4]  }
0x2d: {  	s3 =	simm.s32 $0x108;
	s8 =	sld [smem:$0x3FB5]  }
0x2e: {  	s3 =	simm.s32 @!p0 $0x1082;
	s9 =	sld [smem:$0x3FB6]  }
0x2f: {  	lr =	sadd.s32 s0, s3;
	s0 =	sld [smem:$0x3FAD]  }
0x30: {  	s3 =	sld [smem:$0x3FB0]  }
0x31: {  	[smem:$0x3FB9] =	sst s10  }
0x32: {  	s10 =	sld [smem:$0x3FB7];
	_ =	sdelay $0x3  }
0x33: {  	p0 =	seq.s32 s10, $0x1;
	s10 =	sld [smem:$0x3FB9];
	_ =	sdelay $0x3  }
0x34: {  	[smem:$0x3FB9] =	sst s10  }
0x35: {  	s10 =	sld [smem:$0x3FB8];
	_ =	sdelay $0x3  }
0x36: {  	p1 =	seq.s32 s10, $0x1;
	s10 =	sld [smem:$0x3FB9];
	_ =	sdelay $0x3  }
0x37: {  	[smem:$0x3FB9] =	sst s10  }
0x38: {  	s10 =	sld [smem:$0x3FBA]  }
0x39: {  	_ = 	snop;
	(pc) =	sbr.ind lr, $3  }
0x3a: {  	_ = 	snop  }
0x3b: {  	_ = 	snop  }
0x3c: {  	p2 =	seq.s32 s10, $0x1;
	s10 =	sld [smem:$0x3FB9]  }
0x3d: {  	_ =	shalt  }
0x3e: {  	_ =	shalt  }
0x3f: {  	_ =	shalt  }
0x40: {  	_ =	shalt  }
0x41: {  	_ =	shalt  }
0x42: {  	_ =	shalt  }
0x43: {  	_ =	shalt  }
0x44: {  	_ =	shalt  }
0x45: {  	_ =	shalt  }
0x46: {  	_ =	shalt  }
0x47: {  	_ =	shalt  }
0x48: {  	_ =	shalt  }
0x49: {  	_ =	shalt  }
0x4a: {  	_ =	shalt  }
0x4b: {  	_ =	shalt  }
0x4c: {  	_ =	shalt  }
0x4d: {  	_ =	shalt  }
0x4e: {  	_ =	shalt  }
0x4f: {  	_ =	shalt  }
0x50: {  	_ =	shalt  }
0x51: {  	_ =	shalt  }
0x52: {  	_ =	shalt  }
0x53: {  	_ =	shalt  }
0x54: {  	_ =	shalt  }
0x55: {  	_ =	shalt  }
0x56: {  	_ =	shalt  }
0x57: {  	_ =	shalt  }
0x58: {  	_ =	shalt  }
0x59: {  	_ =	shalt  }
0x5a: {  	_ =	shalt  }
0x5b: {  	_ =	shalt  }
0x5c: {  	_ =	shalt  }
0x5d: {  	_ =	shalt  }
0x5e: {  	_ =	shalt  }
0x5f: {  	_ =	shalt  }
0x60: {  	_ =	shalt  }
0x61: {  	_ =	shalt  }
0x62: {  	_ =	shalt  }
0x63: {  	_ =	shalt  }
0x64: {  	_ =	shalt  }
0x65: {  	_ =	shalt  }
0x66: {  	_ =	shalt  }
0x67: {  	_ =	shalt  }
0x68: {  	_ =	shalt  }
0x69: {  	_ =	shalt  }
0x6a: {  	_ =	shalt  }
0x6b: {  	_ =	shalt  }
0x6c: {  	_ =	shalt  }
0x6d: {  	_ =	shalt  }
0x6e: {  	_ =	shalt  }
0x6f: {  	_ =	shalt  }
0x70: {  	_ =	shalt  }
0x71: {  	_ =	shalt  }
0x72: {  	_ =	shalt  }
0x73: {  	_ =	shalt  }
0x74: {  	_ =	shalt  }
0x75: {  	_ =	shalt  }
0x76: {  	_ =	shalt  }
0x77: {  	_ =	shalt  }
0x78: {  	_ =	shalt  }
0x79: {  	_ =	shalt  }
0x7a: {  	_ =	shalt  }
0x7b: {  	_ =	shalt  }
0x7c: {  	_ =	shalt  }
0x7d: {  	_ =	shalt  }
0x7e: {  	_ =	shalt  }
0x7f: {  	_ =	shalt  }
0x80: {  	_ =	shalt  }
0x81: {  	_ =	shalt  }
0x82: {  	_ =	shalt  }
0x83: {  	_ =	shalt  }
0x84: {  	_ =	shalt  }
0x85: {  	_ =	shalt  }
0x86: {  	_ =	shalt  }
0x87: {  	_ =	shalt  }
.Lfunc_end0:
.L_simem_size_0:
called_computation_lowered:
.L_overlay_start_0:
0x88: {  	s2 =	sld [smem:$0x3FD9]  }
0x89: {  	s3 =	sld [smem:$0x3FFE];
	_ =	sdelay $0x1  }
0x8a: {  	s1 =	srdreg.scid  }
0x8b: {  	s0 =	sand.u32 $0x1, s1  }
0x8c: {  	s17 =	sshll.u32 s0, $0xA;
	s2 =	sadd.s32 s3, s2  }
0x8d: {  	s2 =	sadd.s32 s2, s17  }
0x8e: {  	[smem:$0x3FC5] =	sst s2  }
0x8f: {  	_ = 	snop  }
0x90: {  	s2 =	sld [smem:$0x3FC9]  }
0x91: {  	s18 =	sld [smem:$0x3FC7];
	(tm) =	ssettm $0x1  }
0x92: {  	s4 =	sld [smem:$0x3FFB];
	_ =	sdelay $0x3  }
0x93: {  	_ =	strace s4  }
0x94: {  	s4 =	sld [smem:$0x3FFC];
	_ =	sdelay $0x3  }
0x95: {  	_ =	strace s4  }
0x96: {  	s4 =	sld [smem:$0x3FFD];
	_ =	sdelay $0x3  }
0x97: {  	_ =	strace s4  }
0x98: {  	_ =	strace $0x8FFFFFFF  }
0x99: {  	s19 =	sld [smem:$0x3FDB];
	_ =	sdelay $0x1  }
0x9a: {  	s5 =	simm.s32 $_scs_section_size  }
0x9b: {  	s6 =	simm.s32 $_size__tile_overlayer_lowered;
	s7 =	simm.s32 $_tile_overlayer_lowered  }
0x9c: {  	s22 =	simm.s32 $0x1BFF;
	s21 =	sshll.u32 s7, $0x1;
	s4 =	sadd.s32 s5, s19  }
0x9d: {  	s8 =	simm.s32 $0x0;
	s20 =	sshll.u32 s6, $0x1;
	s6 =	sadd.s32 s21, s4  }
0x9e: {  	[timem:s8], [sflag:s22] =	dma.local [hbm:s6], s20  }
0x9f: {  	_ =	swait.ge [sflag:s22], s20  }
0xa0: {  	s5 =	ssub.s32 $0x0, s20;
	[sflag:s22] =	ssyncset.done $0x0  }
0xa1: {  	[sflag:s22] =	ssyncadd.s32 s5;
	_ =	sdelay $0x1  }
0xa2: {  	s23 =	simm.s32 $0x1B8B  }
0xa3: {  	_ =	swait.ge [sflag:s23], $0x1  }
0xa4: {  	[sflag:s23] =	ssyncset.done $0x0  }
0xa5: {  	s25 =	simm.s32 $0x1B8E;
	s24 =	sld [smem:$0x3FFE];
	[sflag:s23] =	ssyncadd.s32 $0xFFFFFFFF  }
0xa6: {  	s26 =	simm.s32 $execute0_lowered;
	[smem:$0x3FD2] =	sst s25  }
0xa7: {  	s6 =	sshll.u32 s26, $0x1;
	_ =	strace $0x80000046;
	[dreg:$0x1] =	wrdreg $0xFFFFFFFF  }
0xa8: {  	s28 =	simm.s32 $_size_execute0_lowered;
	s4 =	sadd.s32 s4, s6;
	[dreg:$0x0] =	wrdreg $0x0  }
0xa9: {  	s6 =	sshll.u32 s28, $0x1;
	[dreg:$0x2] =	wrdreg s4  }
0xaa: {  	[dreg:$0x3] =	wrdreg s6  }
0xab: {  	[dreg:$0x4] =	wrdreg $0xC0  }
0xac: {  	_ =	task [dreg:s8], $0x5FFFF  }
0xad: {  	[dreg:$0x1] =	wrdreg $0xFFFFFFFF  }
0xae: {  	[dreg:$0x0] =	wrdreg $0x60  }
0xaf: {  	[dreg:$0x2] =	wrdreg s2  }
0xb0: {  	[dreg:$0x3] =	wrdreg s24  }
0xb1: {  	[dreg:$0x4] =	wrdreg s18  }
0xb2: {  	[dreg:$0x5] =	wrdreg $0x9  }
0xb3: {  	_ =	task.clear_ibuf [dreg:s8], $0x6FFFF;
	_ =	strace $0x90000046  }
0xb4: {  	s29 =	simm.s32 $0x9;
	_ =	strace $0x80000048  }
0xb5: {  	_ =	swait.ge [sflag:s29], $0x1  }
0xb6: {  	[sflag:s29] =	ssyncadd.s32 $0xFFFFFFFF  }
0xb7: {  	_ =	strace $0x90000048  }
0xb8: {  	_ =	sfence  }
0xb9: {  	s30 =	sld [smem:$0x0];
	_ =	sdelay $0x2  }
0xba: {  	s31 =	sshll.u32 s1, $0xD;
	s1 =	sshrl.u32 s1, $0x2  }
0xbb: {  	s3 =	sand.u32 $0x4000, s31;
	s1 =	sadd.s32 s1, s30  }
0xbc: {  	s0 =	sor.u32 s3, s0;
	s1 =	sshll.u32 s1, $0x11  }
0xbd: {  	s0 =	sor.u32 s1, s0  }
0xbe: {  	s0 =	sadd.s32 $0x8F2B, s0  }
0xbf: {  	[sflag:s0] =	ssyncadd.remote.s32 $0x1  }
0xc0: {  	_ =	sfence.sel $0xFFFF  }
0xc1: {  	[dreg:$0x0] =	wrdreg $0xFFFFFFFF;
	(pc) =	sbr.abs _section_cstart, $3  }
0xc2: {  	[dreg:$0x1] =	wrdreg $0xFFFFFFFF  }
0xc3: {  	_ =	task.clear_ibuf [dreg:s8], $0x2FFFF;
	_ =	strace $0x9FFFFFFF  }
0xc4: {  	(tm) =	ssettm $0x7FFFFFFF  }
0xc5: {  	_ =	shalt  }
tec
execute0_lowered:
.L_overlay_start_1:
0x0: {  	(tag) =	ssettag $0x1  }
0x1: {  	s1 =	rddreg [dreg:$0x0]  }
0x2: {  	s0 =	rddreg [dreg:$0x1];
	s2 =	srdreg.scid  }
0x3: {  	s3 =	stileid.u32;
	s9 =	rddreg [dreg:$0x2]  }
0x4: {  	s4 =	simm.s32 $0x0;
	s17 =	simm.s32 $0x7;
	s19 =	simm.s32 $0x5  }
0x5: {  	s20 =	simm.s32 $0x80;
	s22 =	simm.s32 $0x6;
	s23 =	simm.s32 $0x4100  }
0x6: {  	s24 =	simm.s32 $0x1;
	s25 =	simm.s32 $0xC100;
	s28 =	simm.s32 $0x10100  }
0x7: {  	s29 =	simm.s32 $0x3;
	s2 =	sand.u32 $0x1, s2;
	s3 =	sshll.u32 s3, $0x1  }
0x8: {  	s30 =	simm.s32 $0x4;
	s31 =	simm.s32 $0x0;
	s3 =	sor.u32 s2, s3  }
0x9: {  	[smem:$0x7FF] =	sst s4;
	s6 =	sadd.s32 $0xF42800, s0;
	s5 =	smul.u32 $0x32, s3  }
0xa: {  	_ =	strace $0x80000047;
	s2 =	ssub.s32 $0x2, s2;
	s3 =	sshll.u32 s3, $0x8  }
0xb: {  	s26 =	sshrl.u32 s2, $0x1;
	s3 =	sand.u32 $0x300, s3;
	s7 =	sshll.u32 s5, $0x4  }
.Ltmp0:
0xc: {  	s8 =	sshll.u32 s5, $0x1;
	s7 =	sand.u32 $0x7C00, s7;
	(pc) =	sbr.rel .LBB2_1-.Ltmp0, $4  }
0xd: {  	v0 =	vlaneseq.u32;
	s11 =	sadd.s32 $0x2, s5;
	s8 =	sand.u32 $0x70, s8;
	s3 =	sor.u32 s3, s7  }
0xe: {  	v0 =	vmul.u32 $0x80, v0;
	s12 =	sadd.s32 $0x3, s5;
	s7 =	sadd.s32 $0x400, s0;
	s3 =	sor.u32 s8, s3  }
0xf: {  	s0 =	ssub.s32 s2, s26;
	s8 =	sadd.s32 $0x80, s9;
	s9 =	sadd.s32 s1, s3  }
0x10: {  	v1 =	vor.u32 $0x800, v0;
	v2 =	vor.u32 $0x1000, v0;
	v3 =	vor.u32 $0x1800, v0;
	s26 =	simm.s32 $0x2;
	s13 =	smax.u32 s0, $0x1;
	s10 =	sadd.s32 $0x80, s9  }
.LBB2_11:
0x11: {  	s31 =	sadd.s32 $0x1, s31  }
0x12: {  	_ =	swait.ge [sflag:s29], $0x4000;
	p0 =	sne.s32 s31, s13  }
.Ltmp1:
0x13: {  	[sflag:s29] =	ssyncset.done $0x0;
	(pc) =	sbr.rel @!p0 .LBB2_12-.Ltmp1, $4  }
0x14: {  	[sflag:s29] =	ssyncadd.s32 $0xFFFFC000  }
0x15: {  	_ =	swait.ge [sflag:s30], $0x4000  }
0x16: {  	[sflag:s30] =	ssyncset.done $0x0  }
0x17: {  	[sflag:s30] =	ssyncadd.s32 $0xFFFFC000  }
.LBB2_1:
0x18: {  	s0 =	rddreg [dreg:$0x2]  }
0x19: {  	s2 =	simm.s32 $0x400;
	s3 =	simm.s32 $0xA000;
	s14 =	simm.s32 $0x8100  }
0x1a: {  	[tilespmem:s14], [sflag:$0x7] =	stream.strided.gather [hbm4b:s0+s2], $0x2000, s3, s2, $0x38;
	[tilespmem:$0x14100] =	vst v63  }
0x1b: {  	_ =	swait.ge [sflag:s17], $0x2000  }
0x1c: {  	[sflag:s17] =	ssyncset.done $0x0  }
0x1d: {  	s18 =	simm.s32 $0xA100;
	[sflag:s17] =	ssyncadd.s32 $0xFFFFE000  }
0x1e: {  	[tilespmem:s18], [sflag:$0x7] =	stream.strided.gather [hbm4b:s8+s2], $0x2000, s3, s2, $0x38;
	[tilespmem:$0x14100] =	vst v63  }
0x1f: {  	_ =	swait.ge [sflag:s17], $0x2000  }
0x20: {  	[sflag:s17] =	ssyncset.done $0x0  }
0x21: {  	[sflag:s17] =	ssyncadd.s32 $0xFFFFE000  }
0x22: {  	[tilespmem:s4], [sflag:$0x5] =	stream.linear.gather [hbm4b:s9+s4], $0x80, $0x38;
	[tilespmem:$0x14100] =	vst v63  }
0x23: {  	_ =	swait.ge [sflag:s19], $0x80  }
0x24: {  	[sflag:s19] =	ssyncset.done $0x0  }
0x25: {  	s21 =	simm.s32 $0x100;
	[sflag:s19] =	ssyncadd.s32 $0xFFFFFF80  }
0x26: {  	[tilespmem:s21], [sflag:$0x1] =	stream.indirect.gather [hbm4b:s6+s20], $0x80, s4, s20, $0xb8;
	[tilespmem:$0x14100] =	vst v63  }
0x27: {  	_ = 	snop  }
0x28: {  	[tilespmem:s20], [sflag:$0x6] =	stream.linear.gather [hbm4b:s10+s4], $0x80, $0x38;
	[tilespmem:$0x14100] =	vst v63  }
0x29: {  	_ =	swait.ge [sflag:s22], $0x80  }
0x2a: {  	[sflag:s22] =	ssyncset.done $0x0  }
0x2b: {  	s2 =	simm.s32 $0x0;
	[sflag:s22] =	ssyncadd.s32 $0xFFFFFF80  }
0x2c: {  	[tilespmem:s23], [sflag:$0x2] =	stream.indirect.gather [hbm4b:s6+s20], $0x80, s20, s20, $0xb8;
	[tilespmem:$0x14100] =	vst v63  }
.LBB2_2:
0x2d: {  	s0 =	sshll.u32 s2, $0x1;
	p0 =	seq.s32 s2, $0x18  }
0x2e: {  	s3 =	sadd.s32 @!p0 s0, s11;
	p1 =	seq.s32 @!p0 s2, $0x0  }
0x2f: {  	_ =	swait.ge [sflag:s24], $0x4000;
	s14 =	sshll.u32 @!p0 s3, $0x4;
	p1 =	por p0, !p1  }
.Ltmp2:
0x30: {  	s16 =	sshll.u32 @!p0 s3, $0x7;
	s3 =	sshll.u32 @!p0 s3, $0x1;
	(pc) =	sbr.rel @!p1 .LBB2_3-.Ltmp2, $4  }
0x31: {  	s14 =	sand.u32 @!p0 $0xFFFFC00, s14;
	s16 =	sand.u32 @!p0 $0x300, s16;
	s3 =	sand.u32 @!p0 $0x70, s3  }
0x32: {  	[sflag:s24] =	ssyncset.done $0x0;
	s14 =	sor.u32 @!p0 s14, s16;
	s3 =	sadd.s32 @!p0 s1, s3  }
0x33: {  	[sflag:s24] =	ssyncadd.s32 $0xFFFFC000;
	s3 =	sadd.s32 @!p0 s14, s3;
	s14 =	simm.s32 @!p0 $0x0  }
0x34: {  	[tilespmem:s14], [sflag:$0x5] =	stream.linear.gather @!p0 [hbm4b:s3+s14], $0x80, $0x38;
	[tilespmem:$0x14100] =	vst v63  }
.Ltmp3:
0x35: {  	(pc) =	sbr.rel .LBB2_5-.Ltmp3, $4  }
0x36: {  	_ = 	snop  }
0x37: {  	_ =	swait.ge [sflag:s29], $0x4000  }
0x38: {  	[sflag:s29] =	ssyncset.done $0x0  }
0x39: {  	p1 =	por $0x0, $0x0;
	[sflag:s29] =	ssyncadd.s32 $0xFFFFC000  }
.LBB2_3:
0x3a: {  	p1 =	por @!p0 $0x1, $0x1  }
.LBB2_5:
0x3b: {  	s16 =	sadd.s32 s5, s0  }
0x3c: {  	s3 =	sshrl.u32 s16, $0x3  }
0x3d: {  	s14 =	sand.u32 $0x7F, s3  }
0x3e: {  	v4 =	vor.u32 s14, v0  }
0x3f: {  	v7 =	vor.u32 s14, v2  }
0x40: {  	s18 =	sshll.u32 s3, $0x6;
	v8 =	vor.u32 s14, v3  }
0x41: {  	s21 =	sand.u32 $0x7FFFE000, s18;
	s18 =	simm.s32 $0x0  }
0x42: {  	v9 =	vld [tilespmem:s18+$0x100]  }
0x43: {  	v5 =	vor.u32 s14, v1;
	v6 =	vld.idx.msk [tilespmem:v4+s21+$0x8100], $0xffff  }
0x44: {  	v4 =	vld.idx.msk [tilespmem:v7+s21+$0x8100], $0xffff  }
0x45: {  	v7 =	vld.idx.msk [tilespmem:v8+s21+$0x8100], $0xffff  }
0x46: {  	v8 =	vld [tilespmem:s18+$0x2B0]  }
0x47: {  	v10 =	vld [tilespmem:s18+$0x110]  }
0x48: {  	v5 =	vld.idx.msk [tilespmem:v5+s21+$0x8100], $0xffff  }
0x49: {  	v11 =	vld [tilespmem:s18+$0x120]  }
0x4a: {  	v14 =	vld [tilespmem:s18+$0x190]  }
0x4b: {  	v12 =	vld [tilespmem:s18+$0x130];
	v8 =	vadd.f32 v8, v7  }
0x4c: {  	v13 =	vld [tilespmem:s18+$0x180];
	v9 =	vadd.f32 v9, v6  }
0x4d: {  	v15 =	vld [tilespmem:s18+$0x1A0];
	[tilespmem:s18+$0xC2B0] =	vst v8;
	v8 =	vadd.f32 v10, v5  }
0x4e: {  	v16 =	vld [tilespmem:s18+$0x1B0];
	[tilespmem:s18+$0xC100] =	vst v9;
	v9 =	vadd.f32 v11, v4  }
0x4f: {  	v10 =	vadd.f32 v14, v5;
	[tilespmem:s18+$0xC110] =	vst v8  }
0x50: {  	v17 =	vld [tilespmem:s18+$0x200];
	v8 =	vadd.f32 v12, v7;
	[tilespmem:s18+$0xC120] =	vst v9  }
0x51: {  	v12 =	vld [tilespmem:s18+$0x210];
	v9 =	vadd.f32 v13, v6;
	[tilespmem:s18+$0xC190] =	vst v10  }
0x52: {  	v11 =	vadd.f32 v15, v4;
	[tilespmem:s18+$0xC130] =	vst v8;
	v8 =	vld [tilespmem:s18+$0x220]  }
0x53: {  	v13 =	vadd.f32 v16, v7;
	[tilespmem:s18+$0xC180] =	vst v9;
	v9 =	vld [tilespmem:s18+$0x230]  }
0x54: {  	v10 =	vld [tilespmem:s18+$0x280];
	[tilespmem:s18+$0xC1A0] =	vst v11  }
0x55: {  	v11 =	vld [tilespmem:s18+$0x290];
	[tilespmem:s18+$0xC1B0] =	vst v13;
	v13 =	vadd.f32 v17, v6  }
0x56: {  	s14 =	simm.s32 $0x1000;
	s21 =	simm.s32 $0x200;
	v14 =	vadd.f32 v12, v5;
	v12 =	vld [tilespmem:s18+$0x2A0]  }
.LBB2_6:
0x57: {  	p2 =	sne.s32 s14, $0xF800;
	v15 =	vld [tilespmem:s21+$0x2B0];
	[tilespmem:s18+$0xC200] =	vst v13;
	v8 =	vadd.f32 v8, v4  }
0x58: {  	v13 =	vld [tilespmem:s21+$0x100];
	[tilespmem:s18+$0xC210] =	vst v14;
	v9 =	vadd.f32 v9, v7  }
0x59: {  	v14 =	vld [tilespmem:s21+$0x110];
	[tilespmem:s18+$0xC220] =	vst v8;
	v8 =	vadd.f32 v10, v6  }
0x5a: {  	v10 =	vld [tilespmem:s21+$0x120];
	[tilespmem:s18+$0xC230] =	vst v9;
	v9 =	vadd.f32 v11, v5  }
0x5b: {  	v11 =	vld [tilespmem:s21+$0x130];
	[tilespmem:s18+$0xC280] =	vst v8;
	v8 =	vadd.f32 v12, v4  }
0x5c: {  	v12 =	vld [tilespmem:s21+$0x180];
	v15 =	vadd.f32 v15, v7;
	[tilespmem:s18+$0xC290] =	vst v9  }
0x5d: {  	v9 =	vadd.f32 v13, v6;
	v13 =	vld [tilespmem:s21+$0x190];
	[tilespmem:s18+$0xC2A0] =	vst v8;
	s18 =	smov.u32 s21  }
0x5e: {  	v8 =	vadd.f32 v14, v5;
	v14 =	vld [tilespmem:s18+$0x1A0];
	[tilespmem:s18+$0xC2B0] =	vst v15  }
0x5f: {  	[tilespmem:s18+$0xC100] =	vst v9;
	v9 =	vadd.f32 v10, v4;
	v10 =	vld [tilespmem:s18+$0x1B0]  }
0x60: {  	[tilespmem:s18+$0xC110] =	vst v8;
	v8 =	vadd.f32 v11, v7;
	v11 =	vld [tilespmem:s18+$0x200]  }
0x61: {  	[tilespmem:s18+$0xC120] =	vst v9;
	v9 =	vadd.f32 v12, v6;
	v12 =	vld [tilespmem:s18+$0x210]  }
.Ltmp4:
0x62: {  	[tilespmem:s18+$0xC130] =	vst v8;
	v13 =	vadd.f32 v13, v5;
	v8 =	vld [tilespmem:s18+$0x220];
	(pc) =	sbr.rel @p2 .LBB2_6-.Ltmp4, $4  }
0x63: {  	[tilespmem:s18+$0xC180] =	vst v9;
	v14 =	vadd.f32 v14, v4;
	v9 =	vld [tilespmem:s18+$0x230]  }
0x64: {  	[tilespmem:s18+$0xC190] =	vst v13;
	v15 =	vadd.f32 v10, v7;
	v10 =	vld [tilespmem:s18+$0x280]  }
0x65: {  	[tilespmem:s18+$0xC1A0] =	vst v14;
	v13 =	vadd.f32 v11, v6;
	v11 =	vld [tilespmem:s18+$0x290]  }
0x66: {  	s21 =	sshra.s32 s14, $0x2;
	s14 =	sadd.s32 $0x800, s14;
	[tilespmem:s18+$0xC1B0] =	vst v15;
	v14 =	vadd.f32 v12, v5;
	v12 =	vld [tilespmem:s18+$0x2A0]  }
0x67: {  	v15 =	vld [tilespmem:s21+$0x2B0];
	[tilespmem:s18+$0xC200] =	vst v13;
	v8 =	vadd.f32 v8, v4  }
0x68: {  	v13 =	vld [tilespmem:s21+$0x100];
	[tilespmem:s18+$0xC210] =	vst v14;
	v9 =	vadd.f32 v9, v7  }
0x69: {  	v14 =	vld [tilespmem:s21+$0x110];
	[tilespmem:s18+$0xC220] =	vst v8;
	v10 =	vadd.f32 v10, v6  }
0x6a: {  	v8 =	vld [tilespmem:s21+$0x120];
	[tilespmem:s18+$0xC230] =	vst v9;
	v11 =	vadd.f32 v11, v5  }
0x6b: {  	v9 =	vld [tilespmem:s21+$0x130];
	[tilespmem:s18+$0xC280] =	vst v10;
	v12 =	vadd.f32 v12, v4  }
0x6c: {  	v10 =	vld [tilespmem:s21+$0x180];
	[tilespmem:s18+$0xC290] =	vst v11;
	v15 =	vadd.f32 v15, v7  }
0x6d: {  	v11 =	vld [tilespmem:s21+$0x190];
	[tilespmem:s18+$0xC2A0] =	vst v12;
	v12 =	vadd.f32 v13, v6  }
0x6e: {  	v13 =	vld [tilespmem:s21+$0x1A0];
	[tilespmem:s21+$0xC2B0] =	vst v15;
	v14 =	vadd.f32 v14, v5  }
0x6f: {  	[tilespmem:s21+$0xC100] =	vst v12;
	v12 =	vld [tilespmem:s21+$0x1B0];
	v8 =	vadd.f32 v8, v4  }
0x70: {  	[tilespmem:s21+$0xC110] =	vst v14;
	v14 =	vld [tilespmem:s21+$0x200];
	v9 =	vadd.f32 v9, v7  }
0x71: {  	[tilespmem:s21+$0xC120] =	vst v8;
	v8 =	vld [tilespmem:s21+$0x210];
	v10 =	vadd.f32 v10, v6  }
0x72: {  	[tilespmem:s21+$0xC130] =	vst v9;
	v9 =	vld [tilespmem:s21+$0x220];
	v11 =	vadd.f32 v11, v5  }
0x73: {  	[tilespmem:s21+$0xC180] =	vst v10;
	v10 =	vld [tilespmem:s21+$0x230];
	v13 =	vadd.f32 v13, v4  }
0x74: {  	[tilespmem:s21+$0xC190] =	vst v11;
	v11 =	vld [tilespmem:s21+$0x280];
	v12 =	vadd.f32 v12, v7  }
0x75: {  	[tilespmem:s21+$0xC1A0] =	vst v13;
	v13 =	vld [tilespmem:s21+$0x290];
	v14 =	vadd.f32 v14, v6  }
0x76: {  	[tilespmem:s21+$0xC1B0] =	vst v12;
	v8 =	vadd.f32 v8, v5;
	v12 =	vld [tilespmem:s21+$0x2A0]  }
0x77: {  	[tilespmem:s21+$0xC200] =	vst v14;
	v9 =	vadd.f32 v9, v4  }
0x78: {  	[tilespmem:s21+$0xC210] =	vst v8;
	v7 =	vadd.f32 v10, v7  }
0x79: {  	[tilespmem:s21+$0xC220] =	vst v9;
	v6 =	vadd.f32 v11, v6  }
0x7a: {  	s14 =	sshll.u32 s16, $0xB;
	[tilespmem:s21+$0xC230] =	vst v7;
	v5 =	vadd.f32 v13, v5  }
0x7b: {  	s3 =	sshll.u32 s3, $0xE;
	s14 =	sand.u32 $0x3000, s14;
	[tilespmem:s21+$0xC280] =	vst v6;
	v4 =	vadd.f32 v12, v4  }
0x7c: {  	s16 =	sadd.s32 s0, s5;
	s0 =	sadd.s32 @!p0 s0, s12;
	s14 =	sadd.s32 s7, s14;
	[tilespmem:s21+$0xC290] =	vst v5  }
0x7d: {  	s15 =	sshll.u32 @!p0 s0, $0x7;
	s3 =	sadd.s32 s3, s14;
	[tilespmem:s21+$0xC2A0] =	vst v4  }
0x7e: {  	[hbm4b:s3+s4] =	stream.linear.scatter [tilespmem:s25], [sflag:$0x3], $0x4000, $0x38;
	[tilespmem:$0x14100] =	vst v63  }
0x7f: {  	s16 =	sadd.s32 $0x1, s16;
	s15 =	sand.u32 @!p0 $0x380, s15;
	s3 =	simm.s32 @!p0 $0x5  }
0x80: {  	s14 =	simm.s32 @!p0 $0x80;
	s18 =	simm.s32 @!p0 $0x0;
	_ =	swait.ge @!p0 [sflag:s3], $0x80  }
0x81: {  	s21 =	sshll.u32 @!p0 s0, $0x4;
	s0 =	sshll.u32 @!p0 s0, $0x1;
	[sflag:s3] =	ssyncset.done @!p0 $0x0  }
0x82: {  	s21 =	sand.u32 @!p0 $0xFFFFC00, s21;
	[sflag:s3] =	ssyncadd.s32 @!p0 $0xFFFFFF80;
	s3 =	simm.s32 @!p0 $0x100  }
0x83: {  	[tilespmem:s3], [sflag:$0x1] =	stream.indirect.gather @!p0 [hbm4b:s6+s14], $0x80, s18, s14, $0xb8;
	[tilespmem:$0x14100] =	vst v63  }
0x84: {  	s0 =	sand.u32 @!p0 $0x70, s0;
	s15 =	sor.u32 @!p0 s21, s15;
	_ =	swait.ge [sflag:s26], $0x4000  }
0x85: {  	s0 =	sadd.s32 @!p0 s1, s0;
	s3 =	sshrl.u32 s16, $0x3;
	[sflag:s26] =	ssyncset.done $0x0  }
0x86: {  	s0 =	sadd.s32 @!p0 s15, s0;
	s21 =	sand.u32 $0x7F, s3;
	[sflag:s26] =	ssyncadd.s32 $0xFFFFC000  }
0x87: {  	v4 =	vor.u32 s21, v0;
	[tilespmem:s14], [sflag:$0x6] =	stream.linear.gather @!p0 [hbm4b:s0+s18], $0x80, $0x38;
	[tilespmem:$0x14100] =	vst v63  }
0x88: {  	v5 =	vor.u32 s21, v1;
	s0 =	simm.s32 @!p1 $0x4  }
0x89: {  	v7 =	vor.u32 s21, v2;
	_ =	swait.ge @!p1 [sflag:s0], $0x4000  }
0x8a: {  	v8 =	vor.u32 s21, v3;
	s18 =	sshll.u32 s3, $0x6;
	[sflag:s0] =	ssyncset.done @!p1 $0x0  }
0x8b: {  	s21 =	sand.u32 $0x7FFFE000, s18;
	[sflag:s0] =	ssyncadd.s32 @!p1 $0xFFFFC000  }
0x8c: {  	v6 =	vld.idx.msk [tilespmem:v4+s21+$0x8100], $0xffff  }
0x8d: {  	v5 =	vld.idx.msk [tilespmem:v5+s21+$0x8100], $0xffff  }
0x8e: {  	v4 =	vld.idx.msk [tilespmem:v7+s21+$0x8100], $0xffff  }
0x8f: {  	s0 =	simm.s32 $0x0;
	v7 =	vld.idx.msk [tilespmem:v8+s21+$0x8100], $0xffff  }
0x90: {  	v8 =	vld [tilespmem:s0+$0x42B0]  }
0x91: {  	v9 =	vld [tilespmem:s0+$0x4100]  }
0x92: {  	v10 =	vld [tilespmem:s0+$0x4110]  }
0x93: {  	v11 =	vld [tilespmem:s0+$0x4120]  }
0x94: {  	v14 =	vld [tilespmem:s0+$0x4190]  }
0x95: {  	v12 =	vld [tilespmem:s0+$0x4130];
	v8 =	vadd.f32 v8, v7  }
0x96: {  	v13 =	vld [tilespmem:s0+$0x4180];
	v9 =	vadd.f32 v9, v6  }
0x97: {  	v15 =	vld [tilespmem:s0+$0x41A0];
	[tilespmem:s0+$0x102B0] =	vst v8;
	v8 =	vadd.f32 v10, v5  }
0x98: {  	v16 =	vld [tilespmem:s0+$0x41B0];
	[tilespmem:s0+$0x10100] =	vst v9;
	v9 =	vadd.f32 v11, v4  }
0x99: {  	v10 =	vadd.f32 v14, v5;
	[tilespmem:s0+$0x10110] =	vst v8  }
0x9a: {  	v17 =	vld [tilespmem:s0+$0x4200];
	v8 =	vadd.f32 v12, v7;
	[tilespmem:s0+$0x10120] =	vst v9  }
0x9b: {  	v12 =	vld [tilespmem:s0+$0x4210];
	v9 =	vadd.f32 v13, v6;
	[tilespmem:s0+$0x10190] =	vst v10  }
0x9c: {  	v11 =	vadd.f32 v15, v4;
	[tilespmem:s0+$0x10130] =	vst v8;
	v8 =	vld [tilespmem:s0+$0x4220]  }
0x9d: {  	v13 =	vadd.f32 v16, v7;
	[tilespmem:s0+$0x10180] =	vst v9;
	v9 =	vld [tilespmem:s0+$0x4230]  }
0x9e: {  	v10 =	vld [tilespmem:s0+$0x4280];
	[tilespmem:s0+$0x101A0] =	vst v11  }
0x9f: {  	v11 =	vld [tilespmem:s0+$0x4290];
	[tilespmem:s0+$0x101B0] =	vst v13;
	v13 =	vadd.f32 v17, v6  }
0xa0: {  	s14 =	simm.s32 $0x1000;
	s18 =	simm.s32 $0x200;
	v14 =	vadd.f32 v12, v5;
	v12 =	vld [tilespmem:s0+$0x42A0]  }
.LBB2_8:
0xa1: {  	p1 =	sne.s32 s14, $0xF800;
	v15 =	vld [tilespmem:s18+$0x42B0];
	[tilespmem:s0+$0x10200] =	vst v13;
	v8 =	vadd.f32 v8, v4  }
0xa2: {  	v13 =	vld [tilespmem:s18+$0x4100];
	[tilespmem:s0+$0x10210] =	vst v14;
	v9 =	vadd.f32 v9, v7  }
0xa3: {  	v14 =	vld [tilespmem:s18+$0x4110];
	[tilespmem:s0+$0x10220] =	vst v8;
	v8 =	vadd.f32 v10, v6  }
0xa4: {  	v10 =	vld [tilespmem:s18+$0x4120];
	[tilespmem:s0+$0x10230] =	vst v9;
	v9 =	vadd.f32 v11, v5  }
0xa5: {  	v11 =	vld [tilespmem:s18+$0x4130];
	[tilespmem:s0+$0x10280] =	vst v8;
	v8 =	vadd.f32 v12, v4  }
0xa6: {  	v12 =	vld [tilespmem:s18+$0x4180];
	v15 =	vadd.f32 v15, v7;
	[tilespmem:s0+$0x10290] =	vst v9  }
0xa7: {  	v9 =	vadd.f32 v13, v6;
	v13 =	vld [tilespmem:s18+$0x4190];
	[tilespmem:s0+$0x102A0] =	vst v8;
	s0 =	smov.u32 s18  }
0xa8: {  	v8 =	vadd.f32 v14, v5;
	v14 =	vld [tilespmem:s0+$0x41A0];
	[tilespmem:s0+$0x102B0] =	vst v15  }
0xa9: {  	[tilespmem:s0+$0x10100] =	vst v9;
	v9 =	vadd.f32 v10, v4;
	v10 =	vld [tilespmem:s0+$0x41B0]  }
0xaa: {  	[tilespmem:s0+$0x10110] =	vst v8;
	v8 =	vadd.f32 v11, v7;
	v11 =	vld [tilespmem:s0+$0x4200]  }
0xab: {  	[tilespmem:s0+$0x10120] =	vst v9;
	v9 =	vadd.f32 v12, v6;
	v12 =	vld [tilespmem:s0+$0x4210]  }
.Ltmp5:
0xac: {  	[tilespmem:s0+$0x10130] =	vst v8;
	v13 =	vadd.f32 v13, v5;
	v8 =	vld [tilespmem:s0+$0x4220];
	(pc) =	sbr.rel @p1 .LBB2_8-.Ltmp5, $4  }
0xad: {  	[tilespmem:s0+$0x10180] =	vst v9;
	v14 =	vadd.f32 v14, v4;
	v9 =	vld [tilespmem:s0+$0x4230]  }
0xae: {  	[tilespmem:s0+$0x10190] =	vst v13;
	v15 =	vadd.f32 v10, v7;
	v10 =	vld [tilespmem:s0+$0x4280]  }
0xaf: {  	[tilespmem:s0+$0x101A0] =	vst v14;
	v13 =	vadd.f32 v11, v6;
	v11 =	vld [tilespmem:s0+$0x4290]  }
0xb0: {  	s18 =	sshra.s32 s14, $0x2;
	s14 =	sadd.s32 $0x800, s14;
	[tilespmem:s0+$0x101B0] =	vst v15;
	v14 =	vadd.f32 v12, v5;
	v12 =	vld [tilespmem:s0+$0x42A0]  }
0xb1: {  	v15 =	vld [tilespmem:s18+$0x42B0];
	[tilespmem:s0+$0x10200] =	vst v13;
	v8 =	vadd.f32 v8, v4  }
0xb2: {  	v13 =	vld [tilespmem:s18+$0x4100];
	[tilespmem:s0+$0x10210] =	vst v14;
	v9 =	vadd.f32 v9, v7  }
0xb3: {  	v14 =	vld [tilespmem:s18+$0x4110];
	[tilespmem:s0+$0x10220] =	vst v8;
	v10 =	vadd.f32 v10, v6  }
0xb4: {  	v8 =	vld [tilespmem:s18+$0x4120];
	[tilespmem:s0+$0x10230] =	vst v9;
	v11 =	vadd.f32 v11, v5  }
0xb5: {  	v9 =	vld [tilespmem:s18+$0x4130];
	[tilespmem:s0+$0x10280] =	vst v10;
	v12 =	vadd.f32 v12, v4  }
0xb6: {  	v10 =	vld [tilespmem:s18+$0x4180];
	[tilespmem:s0+$0x10290] =	vst v11;
	v15 =	vadd.f32 v15, v7  }
0xb7: {  	v11 =	vld [tilespmem:s18+$0x4190];
	[tilespmem:s0+$0x102A0] =	vst v12;
	v52 =	vadd.f32 v13, v6  }
0xb8: {  	v53 =	vld [tilespmem:s18+$0x41A0];
	[tilespmem:s18+$0x102B0] =	vst v15;
	v14 =	vadd.f32 v14, v5  }
0xb9: {  	v54 =	vld [tilespmem:s18+$0x41B0];
	[tilespmem:s18+$0x10100] =	vst v52;
	v8 =	vadd.f32 v8, v4  }
0xba: {  	v55 =	vld [tilespmem:s18+$0x4200];
	[tilespmem:s18+$0x10110] =	vst v14;
	v9 =	vadd.f32 v9, v7  }
0xbb: {  	v56 =	vld [tilespmem:s18+$0x4210];
	[tilespmem:s18+$0x10120] =	vst v8;
	v10 =	vadd.f32 v10, v6  }
0xbc: {  	v57 =	vld [tilespmem:s18+$0x4220];
	[tilespmem:s18+$0x10130] =	vst v9;
	v11 =	vadd.f32 v11, v5  }
0xbd: {  	v58 =	vld [tilespmem:s18+$0x4230];
	[tilespmem:s18+$0x10180] =	vst v10;
	v13 =	vadd.f32 v53, v4  }
0xbe: {  	v59 =	vld [tilespmem:s18+$0x4280];
	v12 =	vadd.f32 v54, v7;
	[tilespmem:s18+$0x10190] =	vst v11  }
0xbf: {  	v60 =	vld [tilespmem:s18+$0x4290];
	v14 =	vadd.f32 v55, v6;
	[tilespmem:s18+$0x101A0] =	vst v13  }
0xc0: {  	v61 =	vld [tilespmem:s18+$0x42A0];
	v8 =	vadd.f32 v56, v5;
	[tilespmem:s18+$0x101B0] =	vst v12  }
0xc1: {  	v9 =	vadd.f32 v57, v4;
	[tilespmem:s18+$0x10200] =	vst v14  }
0xc2: {  	v62 =	vadd.f32 v58, v7;
	[tilespmem:s18+$0x10210] =	vst v8  }
0xc3: {  	v63 =	vadd.f32 v59, v6;
	[tilespmem:s18+$0x10220] =	vst v9  }
.Ltmp6:
0xc4: {  	s21 =	sshll.u32 s16, $0xB;
	v5 =	vadd.f32 v60, v5;
	[tilespmem:s18+$0x10230] =	vst v62;
	(pc) =	sbr.rel @p0 .LBB2_11-.Ltmp6, $4  }
0xc5: {  	s0 =	sand.u32 $0x3800, s21;
	v4 =	vadd.f32 v61, v4;
	[tilespmem:s18+$0x10280] =	vst v63  }
0xc6: {  	s3 =	sshll.u32 s3, $0xE;
	s0 =	sadd.s32 s7, s0;
	[tilespmem:s18+$0x10290] =	vst v5  }
0xc7: {  	s0 =	sadd.s32 s3, s0;
	[tilespmem:s18+$0x102A0] =	vst v4  }
0xc8: {  	[hbm4b:s0+s4] =	stream.linear.scatter [tilespmem:s28], [sflag:$0x4], $0x4000, $0x38;
	[tilespmem:$0x14100] =	vst v63  }
.Ltmp7:
0xc9: {  	(pc) =	sbr.rel .LBB2_2-.Ltmp7, $4  }
0xca: {  	_ =	swait.ge [sflag:s22], $0x80  }
0xcb: {  	[sflag:s22] =	ssyncset.done $0x0  }
0xcc: {  	s2 =	sadd.s32 $0x1, s2;
	[sflag:s22] =	ssyncadd.s32 $0xFFFFFF80  }
0xcd: {  	[tilespmem:s23], [sflag:$0x2] =	stream.indirect.gather [hbm4b:s6+s20], $0x80, s20, s20, $0xb8;
	[tilespmem:$0x14100] =	vst v63  }
.LBB2_12:
0xce: {  	_ =	sfence.sel $0x180000  }
0xcf: {  	[bflag:$0x0] =	sbarrier.arrive $0xFFFF  }
0xd0: {  	_ =	strace $0x90000047  }
0xd1: {  	s0 =	stileid.u32;
	[bflag:$0x2] =	sbarrier.arrive $0xFFFF  }
0xd2: {  	p0 =	sne.s32 s0, $0x0;
	s0 =	rddreg [dreg:$0x3]  }
0xd3: {  	s0 =	sadd.s32 @!p0 $0x100000, s0  }
0xd4: {  	[sflag:s0] =	ssyncadd.tile.s32 @!p0 $0x1;
	_ =	shalt  }
.Lfunc_end2:
_tile_overlayer_lowered:
.L_overlay_start_2:
0xd5: {  	(tag) =	ssettag $0x2  }
0xd6: {  	s0 =	rddreg [dreg:$0x0];
	s2 =	stileid.u32  }
0xd7: {  	s1 =	rddreg [dreg:$0x1];
	p0 =	sne.s32 s2, $0x0  }
0xd8: {  	s3 =	rddreg [dreg:$0x2];
	[bflag:$0x3] =	sbarrier.arrive $0xFFFF;
	s2 =	simm.s32 @!p0 $0x1C07  }
0xd9: {  	[timem:s3], [sflag:s2] =	dma.local @!p0 [hbm:s0], s1  }
0xda: {  	s0 =	simm.s32 @!p0 $0x7  }
0xdb: {  	_ =	swait.ge @!p0 [sflag:s0], s1  }
0xdc: {  	s1 =	ssub.s32 @!p0 $0x0, s1;
	[sflag:s0] =	ssyncset.done @!p0 $0x0  }
0xdd: {  	[sflag:s0] =	ssyncadd.s32 @!p0 s1  }
0xde: {  	[bflag:$0x3] =	sbarrier.arrive $0xFFFF  }
0xdf: {  	_ =	shalt  }

</sc_bundles>
